<compile_context>
chip_gen: v7x
topology: tpu7x:2x2x1
jax: 0.10.2.dev20260603
libtpu: 0.0.44.dev20260713+nightly
codegen_flags: <defaults>
</compile_context>

<pallas_src>
import jax
import jax.numpy as jnp
from jax import lax
from jax.experimental import pallas as pl
from jax.experimental.pallas import tpu as pltpu
from jax.experimental.pallas import tpu_sc as plsc

N_NODES_IN = 10000
D = 128
E = 320000

NC = 2
NS = 16
NW = NC * NS
CHUNK = 128
NCH0 = 144
NCH1 = 16
NCHM = max(NCH0, NCH1)
E_PAD = NS * (NCH0 + NCH1) * CHUNK
NACC = 10240
ROWS_PER_TILE = NACC // NS
GRP = 4
NGRP0 = NCH0 // GRP
NGRP1 = NCH1 // GRP
ZROWS = 128
NZC = ROWS_PER_TILE // ZROWS
DDEG = 16


def _sc_body(feat, edges, part, dpart, acc, dacc, ebuf, obuf, rows0, rows1,
             sem0, sem1):
    c = lax.axis_index("c")
    s = lax.axis_index("s")
    w = c * NS + s
    rs = s * ROWS_PER_TILE

    z16 = jnp.zeros((16,), jnp.float32)

    def zrow(i, carry):
        for k in range(D // 16):
            rows0[i, pl.ds(k * 16, 16)] = z16
        obuf[i, :] = z16
        return carry

    lax.fori_loop(0, CHUNK, zrow, 0)
    for q in range(NZC):
        pltpu.sync_copy(rows0.at[pl.ds(0, ZROWS)],
                        acc.at[pl.ds(rs + q * ZROWS, ZROWS)])
        pltpu.sync_copy(obuf.at[pl.ds(0, ZROWS)],
                        dacc.at[pl.ds(rs + q * ZROWS, ZROWS)])

    o16 = jnp.ones((16,), jnp.float32)

    def orow(i, carry):
        obuf[i, :] = o16
        return carry

    lax.fori_loop(0, CHUNK, orow, 0)

    plsc.subcore_barrier()

    bufs = (rows0, rows1)
    sems = (sem0, sem1)

    def group(g, carry):
        pltpu.sync_copy(edges.at[w, pl.ds(g * GRP, GRP)], ebuf)
        pltpu.async_copy(feat.at[ebuf.at[0, 0]], rows0, sem0)
        for j in range(GRP):
            cur = bufs[j % 2]
            pltpu.make_async_copy(feat.at[ebuf.at[j, 0]], cur,
                                  sems[j % 2]).wait()
            if j + 1 < GRP:
                pltpu.async_copy(feat.at[ebuf.at[j + 1, 0]],
                                 bufs[(j + 1) % 2], sems[(j + 1) % 2])
            pltpu.sync_copy(cur, acc.at[ebuf.at[j, 1]], add=True)
            pltpu.sync_copy(obuf, dacc.at[ebuf.at[j, 1]], add=True)
        return carry

    ngrp = lax.select(c == 0, NGRP0, NGRP1)
    lax.fori_loop(0, ngrp, group, 0)

    plsc.subcore_barrier()

    pltpu.sync_copy(acc.at[pl.ds(rs, ROWS_PER_TILE)],
                    part.at[c, pl.ds(rs, ROWS_PER_TILE)])
    pltpu.sync_copy(dacc.at[pl.ds(rs, ROWS_PER_TILE)],
                    dpart.at[c, pl.ds(rs, ROWS_PER_TILE)])


@jax.jit
def _sc_aggregate(feat, edges):
    mesh = plsc.VectorSubcoreMesh(core_axis_name="c", subcore_axis_name="s",
                                  num_cores=NC, num_subcores=NS)
    return pl.kernel(
        _sc_body,
        out_type=[
            jax.ShapeDtypeStruct((NC, NACC, D), jnp.float32),
            jax.ShapeDtypeStruct((NC, NACC, DDEG), jnp.float32),
        ],
        mesh=mesh,
        scratch_types=[
            pltpu.VMEM_SHARED((NACC, D), jnp.float32),
            pltpu.VMEM_SHARED((NACC, DDEG), jnp.float32),
            pltpu.VMEM((GRP, 2, CHUNK), jnp.int32),
            pltpu.VMEM((CHUNK, DDEG), jnp.float32),
            pltpu.VMEM((CHUNK, D), jnp.float32),
            pltpu.VMEM((CHUNK, D), jnp.float32),
            pltpu.SemaphoreType.DMA,
            pltpu.SemaphoreType.DMA,
        ],
        compiler_params=pltpu.CompilerParams(use_tc_tiling_on_sc=False),
    )(feat, edges)


def _tc_body(part_ref, dpart_ref, w_ref, b_ref, out_ref):
    p = part_ref[0, :N_NODES_IN, :]
    deg = dpart_ref[0, :N_NODES_IN, 0:1]
    for cc in range(1, NC):
        p = p + part_ref[cc, :N_NODES_IN, :]
        deg = deg + dpart_ref[cc, :N_NODES_IN, 0:1]
    h = p / jnp.maximum(deg, 1.0)
    y = lax.dot_general(h, w_ref[...], (((1,), (1,)), ((), ())),
                        preferred_element_type=jnp.float32)
    out_ref[...] = y + b_ref[...]


@jax.jit
def _tc_finish(part, dpart, W, b2):
    return pl.pallas_call(
        _tc_body,
        out_shape=jax.ShapeDtypeStruct((N_NODES_IN, D), jnp.float32),
    )(part, dpart, W, b2)


def kernel(features, edge_index, W, b):
    src = edge_index[0]
    dst = edge_index[1]
    pad = E_PAD - E
    pad_dst = (N_NODES_IN + jnp.arange(pad, dtype=jnp.int32)
               % (NACC - N_NODES_IN)).astype(jnp.int32)
    srcp = jnp.concatenate([src, jnp.zeros((pad,), jnp.int32)])
    dstp = jnp.concatenate([dst, pad_dst])

    def layout(a):
        e0 = NS * NCH0 * CHUNK
        a0 = a[:e0].reshape(NS, NCH0, CHUNK)
        a1 = a[e0:].reshape(NS, NCH1, CHUNK)
        a0 = jnp.pad(a0, ((0, 0), (0, NCHM - NCH0), (0, 0)))
        a1 = jnp.pad(a1, ((0, 0), (0, NCHM - NCH1), (0, 0)))
        return jnp.concatenate([a0, a1], axis=0)

    edges = jnp.stack([layout(srcp), layout(dstp)], axis=2)
    part, dpart = _sc_aggregate(features, edges)
    return _tc_finish(part, dpart, W, b.reshape(1, D))

# --- scband reference (transcript-rebuilt; emitter-appended) ---
"""Pipeline reference for scband-gcnlayer-12893491822858 (READ-ONLY COPY).

The authoritative reference and input builder live on the scoring server;
editing this copy changes nothing except your own understanding.
"""

import jax, jax.numpy as jnp
import numpy as np

N_NODES = 10000
N_EDGES = 320000
D_IN = 128
D_OUT = 128


def setup_inputs(seed: int = 0) -> dict:
    key = jax.random.key(seed)
    k1, k2, k3, k4 = jax.random.split(key, 4)
    features = jax.random.normal(k1, (N_NODES, D_IN), dtype=jnp.float32)
    edge_index = jax.random.randint(k2, (2, N_EDGES), 0, N_NODES, dtype=jnp.int32)
    # nn.Linear(in_feats, out_feats) parameters: W [out, in], b [out]
    W = jax.random.normal(k3, (D_OUT, D_IN), dtype=jnp.float32) * 0.05
    b = jax.random.normal(k4, (D_OUT,), dtype=jnp.float32) * 0.05
    return {"features": features, "edge_index": edge_index, "W": W, "b": b}


def reference(features, edge_index, W, b):
    # DGL: graph.update_all(fn.copy_u('h','m'), fn.mean('m','h'))
    # copy_u: message = source node feature; mean reduce at destination node.
    src = edge_index[0]
    dst = edge_index[1]
    msgs = jnp.take(features, src, axis=0)                      # gather  [E, D_IN]
    summed = jax.ops.segment_sum(msgs, dst, num_segments=N_NODES)  # scatter-add [N, D_IN]
    deg = jax.ops.segment_sum(jnp.ones((N_EDGES,), dtype=jnp.float32), dst, num_segments=N_NODES)
    # mean over incoming messages; nodes with zero in-degree get 0 (matches DGL mean of empty mailbox)
    h = summed / jnp.maximum(deg, 1.0)[:, None]
    # self.linear(h)
    return h @ W.T + b

if __name__ == "__main__":
    import jax
    _d = setup_inputs()
    print(jax.jit(kernel)(*tuple(_d.values())))

</pallas_src>

<mosaic_0001>
#map = affine_map<(d0, d1) -> (0, 0)>
#map1 = affine_map<(d0, d1) -> (0, 0, 0, 0)>
#map2 = affine_map<(d0, d1) -> (0, 0, 0)>
module attributes {stable_mosaic.version = 14 : i64} {
  func.func @_sc_body(%arg0: i32, %arg1: i32, %arg2: memref<10000x128xf32, #tpu.memory_space<hbm>>, %arg3: memref<32x144x2x128xi32, #tpu.memory_space<hbm>>, %arg4: memref<2x10240x128xf32, #tpu.memory_space<hbm>>, %arg5: memref<2x10240x16xf32, #tpu.memory_space<hbm>>, %arg6: memref<10240x128xf32, #tpu.memory_space<vmem_shared>>, %arg7: memref<10240x16xf32, #tpu.memory_space<vmem_shared>>, %arg8: memref<4x2x128xi32, #tpu.memory_space<vmem>>, %arg9: memref<128x16xf32, #tpu.memory_space<vmem>>, %arg10: memref<128x128xf32, #tpu.memory_space<vmem>>, %arg11: memref<128x128xf32, #tpu.memory_space<vmem>>, %arg12: memref<!tpu.dma_semaphore, #tpu.memory_space<semaphore_mem>>, %arg13: memref<!tpu.dma_semaphore, #tpu.memory_space<semaphore_mem>>) attributes {dimension_semantics = [#tpu.dimension_semantics<core_parallel>, #tpu.dimension_semantics<subcore_parallel>], iteration_bounds = array<i64: 2, 16>, scalar_prefetch = 0 : i64, scratch_operands = 8 : i64, tpu.core_type = #tpu.core_type<sc_vector_subcore>, window_params = [{transform_indices = #map}, {transform_indices = #map1}, {transform_indices = #map2}, {transform_indices = #map2}]} {
    %mul3A = arith.constant 16 : i32
    %mul3A_0 = arith.muli %arg0, %mul3A : i32
    %add3A = arith.addi %mul3A_0, %arg1 : i32
    %mul3A_1 = arith.constant 640 : i32
    %mul3A_2 = arith.muli %arg1, %mul3A_1 : i32
    %broadcast_in_dim3A = arith.constant 0.000000e+00 : f32
    %broadcast_in_dim3A_3 = vector.broadcast %broadcast_in_dim3A : f32 to vector<16xf32>
    %scan3A = arith.constant 0 : i32
    %scan3A_4 = arith.constant 0 : i32
    %scan3A_5 = arith.constant 128 : i32
    %scan3A_6 = arith.addi %scan3A_4, %scan3A_5 : i32
    %scan3A_7 = arith.constant 1 : i32
    scf.for %scan3A_50 = %scan3A_4 to %scan3A_6 step %scan3A_7  : i32 {
      %swap3A = arith.index_cast %scan3A_50 : i32 to index
      %swap3A_51 = arith.constant 0 : index
      %swap3A_52 = tpu.vector_load %arg10[%swap3A, %swap3A_51] {strides = array<i32>} : memref<128x128xf32, #tpu.memory_space<vmem>>, vector<1x16xf32>,
      %swap3A_53 = vector.shape_cast %swap3A_52 : vector<1x16xf32> to vector<16xf32>
      %swap3A_54 = vector.shape_cast %broadcast_in_dim3A_3 : vector<16xf32> to vector<1x16xf32>
      tpu.vector_store %arg10[%swap3A, %swap3A_51], %swap3A_54 {strides = array<i32>} : memref<128x128xf32, #tpu.memory_space<vmem>>, vector<1x16xf32>,
      %swap3A_55 = arith.index_cast %scan3A_50 : i32 to index
      %swap3A_56 = arith.constant 16 : index
      %swap3A_57 = tpu.vector_load %arg10[%swap3A_55, %swap3A_56] {strides = array<i32>} : memref<128x128xf32, #tpu.memory_space<vmem>>, vector<1x16xf32>,
      %swap3A_58 = vector.shape_cast %swap3A_57 : vector<1x16xf32> to vector<16xf32>
      %swap3A_59 = vector.shape_cast %broadcast_in_dim3A_3 : vector<16xf32> to vector<1x16xf32>
      tpu.vector_store %arg10[%swap3A_55, %swap3A_56], %swap3A_59 {strides = array<i32>} : memref<128x128xf32, #tpu.memory_space<vmem>>, vector<1x16xf32>,
      %swap3A_60 = arith.index_cast %scan3A_50 : i32 to index
      %swap3A_61 = arith.constant 32 : index
      %swap3A_62 = tpu.vector_load %arg10[%swap3A_60, %swap3A_61] {strides = array<i32>} : memref<128x128xf32, #tpu.memory_space<vmem>>, vector<1x16xf32>,
      %swap3A_63 = vector.shape_cast %swap3A_62 : vector<1x16xf32> to vector<16xf32>
      %swap3A_64 = vector.shape_cast %broadcast_in_dim3A_3 : vector<16xf32> to vector<1x16xf32>
      tpu.vector_store %arg10[%swap3A_60, %swap3A_61], %swap3A_64 {strides = array<i32>} : memref<128x128xf32, #tpu.memory_space<vmem>>, vector<1x16xf32>,
      %swap3A_65 = arith.index_cast %scan3A_50 : i32 to index
      %swap3A_66 = arith.constant 48 : index
      %swap3A_67 = tpu.vector_load %arg10[%swap3A_65, %swap3A_66] {strides = array<i32>} : memref<128x128xf32, #tpu.memory_space<vmem>>, vector<1x16xf32>,
      %swap3A_68 = vector.shape_cast %swap3A_67 : vector<1x16xf32> to vector<16xf32>
      %swap3A_69 = vector.shape_cast %broadcast_in_dim3A_3 : vector<16xf32> to vector<1x16xf32>
      tpu.vector_store %arg10[%swap3A_65, %swap3A_66], %swap3A_69 {strides = array<i32>} : memref<128x128xf32, #tpu.memory_space<vmem>>, vector<1x16xf32>,
      %swap3A_70 = arith.index_cast %scan3A_50 : i32 to index
      %swap3A_71 = arith.constant 64 : index
      %swap3A_72 = tpu.vector_load %arg10[%swap3A_70, %swap3A_71] {strides = array<i32>} : memref<128x128xf32, #tpu.memory_space<vmem>>, vector<1x16xf32>,
      %swap3A_73 = vector.shape_cast %swap3A_72 : vector<1x16xf32> to vector<16xf32>
      %swap3A_74 = vector.shape_cast %broadcast_in_dim3A_3 : vector<16xf32> to vector<1x16xf32>
      tpu.vector_store %arg10[%swap3A_70, %swap3A_71], %swap3A_74 {strides = array<i32>} : memref<128x128xf32, #tpu.memory_space<vmem>>, vector<1x16xf32>,
      %swap3A_75 = arith.index_cast %scan3A_50 : i32 to index
      %swap3A_76 = arith.constant 80 : index
      %swap3A_77 = tpu.vector_load %arg10[%swap3A_75, %swap3A_76] {strides = array<i32>} : memref<128x128xf32, #tpu.memory_space<vmem>>, vector<1x16xf32>,
      %swap3A_78 = vector.shape_cast %swap3A_77 : vector<1x16xf32> to vector<16xf32>
      %swap3A_79 = vector.shape_cast %broadcast_in_dim3A_3 : vector<16xf32> to vector<1x16xf32>
      tpu.vector_store %arg10[%swap3A_75, %swap3A_76], %swap3A_79 {strides = array<i32>} : memref<128x128xf32, #tpu.memory_space<vmem>>, vector<1x16xf32>,
      %swap3A_80 = arith.index_cast %scan3A_50 : i32 to index
      %swap3A_81 = arith.constant 96 : index
      %swap3A_82 = tpu.vector_load %arg10[%swap3A_80, %swap3A_81] {strides = array<i32>} : memref<128x128xf32, #tpu.memory_space<vmem>>, vector<1x16xf32>,
      %swap3A_83 = vector.shape_cast %swap3A_82 : vector<1x16xf32> to vector<16xf32>
      %swap3A_84 = vector.shape_cast %broadcast_in_dim3A_3 : vector<16xf32> to vector<1x16xf32>
      tpu.vector_store %arg10[%swap3A_80, %swap3A_81], %swap3A_84 {strides = array<i32>} : memref<128x128xf32, #tpu.memory_space<vmem>>, vector<1x16xf32>,
      %swap3A_85 = arith.index_cast %scan3A_50 : i32 to index
      %swap3A_86 = arith.constant 112 : index
      %swap3A_87 = tpu.vector_load %arg10[%swap3A_85, %swap3A_86] {strides = array<i32>} : memref<128x128xf32, #tpu.memory_space<vmem>>, vector<1x16xf32>,
      %swap3A_88 = vector.shape_cast %swap3A_87 : vector<1x16xf32> to vector<16xf32>
      %swap3A_89 = vector.shape_cast %broadcast_in_dim3A_3 : vector<16xf32> to vector<1x16xf32>
      tpu.vector_store %arg10[%swap3A_85, %swap3A_86], %swap3A_89 {strides = array<i32>} : memref<128x128xf32, #tpu.memory_space<vmem>>, vector<1x16xf32>,
      %swap3A_90 = arith.index_cast %scan3A_50 : i32 to index
      %swap3A_91 = arith.constant 0 : index
      %swap3A_92 = tpu.vector_load %arg9[%swap3A_90, %swap3A_91] {strides = array<i32>} : memref<128x16xf32, #tpu.memory_space<vmem>>, vector<1x16xf32>,
      %swap3A_93 = vector.shape_cast %swap3A_92 : vector<1x16xf32> to vector<16xf32>
      %swap3A_94 = vector.shape_cast %broadcast_in_dim3A_3 : vector<16xf32> to vector<1x16xf32>
      tpu.vector_store %arg9[%swap3A_90, %swap3A_91], %swap3A_94 {strides = array<i32>} : memref<128x16xf32, #tpu.memory_space<vmem>>, vector<1x16xf32>,
    }
    %scan3A_8 = arith.constant 128 : i32
    %add3A_9 = arith.constant 0 : i32
    %add3A_10 = arith.addi %mul3A_2, %add3A_9 : i32
    "tpu.region"() ({
      %run_scoped3A = tpu.sem_alloc : memref<!tpu.dma_semaphore, #tpu.memory_space<semaphore_mem>>
      %dma_start3A = arith.constant 0 : i32
      %dma_start3A_50 = arith.constant 0 : i32
      %dma_start3A_51 = tpu.memref_slice %arg10[%dma_start3A, %dma_start3A_50] : memref<128x128xf32, #tpu.memory_space<vmem>> -> memref<128x128xf32, #tpu.memory_space<vmem>>
      %dma_start3A_52 = arith.constant 0 : i32
      %dma_start3A_53 = tpu.memref_slice %arg6[%add3A_10, %dma_start3A_52] : memref<10240x128xf32, #tpu.memory_space<vmem_shared>> -> memref<128x128xf32, #tpu.memory_space<vmem_shared>>
      %dma_start3A_54 = arith.constant 0 : i32
      %dma_start3A_55 = tpu.memref_slice %arg6[%add3A_10, %dma_start3A_54] : memref<10240x128xf32, #tpu.memory_space<vmem_shared>> -> memref<128x128xf32, #tpu.memory_space<vmem_shared>>
      %dma_start3A_56 = arith.constant 0 : i32
      %dma_start3A_57 = arith.constant 0 : i32
      %dma_start3A_58 = tpu.memref_slice %arg10[%dma_start3A_56, %dma_start3A_57] : memref<128x128xf32, #tpu.memory_space<vmem>> -> memref<128x128xf32, #tpu.memory_space<vmem>>
      tpu.enqueue_dma source(%dma_start3A_58 : memref<128x128xf32, #tpu.memory_space<vmem>>) target(%dma_start3A_55 : memref<128x128xf32, #tpu.memory_space<vmem_shared>>) target_semaphore(%run_scoped3A : memref<!tpu.dma_semaphore, #tpu.memory_space<semaphore_mem>>)
      %dma_wait3A = arith.constant 0 : i32
      %dma_wait3A_59 = arith.constant 0 : i32
      %dma_wait3A_60 = tpu.memref_slice %arg10[%dma_wait3A, %dma_wait3A_59] : memref<128x128xf32, #tpu.memory_space<vmem>> -> memref<128x128xf32, #tpu.memory_space<vmem>>
      %dma_wait3A_61 = arith.constant 0 : i32
      %dma_wait3A_62 = tpu.memref_slice %arg6[%add3A_10, %dma_wait3A_61] : memref<10240x128xf32, #tpu.memory_space<vmem_shared>> -> memref<128x128xf32, #tpu.memory_space<vmem_shared>>
      %dma_wait3A_63 = arith.constant 0 : i32
      %dma_wait3A_64 = tpu.memref_slice %arg6[%add3A_10, %dma_wait3A_63] : memref<10240x128xf32, #tpu.memory_space<vmem_shared>> -> memref<128x128xf32, #tpu.memory_space<vmem_shared>>
      %dma_wait3A_65 = arith.constant 0 : i32
      %dma_wait3A_66 = arith.constant 0 : i32
      %dma_wait3A_67 = tpu.memref_slice %arg10[%dma_wait3A_65, %dma_wait3A_66] : memref<128x128xf32, #tpu.memory_space<vmem>> -> memref<128x128xf32, #tpu.memory_space<vmem>>
      tpu.wait_dma2 semaphore(%run_scoped3A : memref<!tpu.dma_semaphore, #tpu.memory_space<semaphore_mem>>) src(%dma_wait3A_67 : memref<128x128xf32, #tpu.memory_space<vmem>>) dst(%dma_wait3A_64 : memref<128x128xf32, #tpu.memory_space<vmem_shared>>)
      tpu.yield
    }) : () -> ()
    %add3A_11 = arith.constant 0 : i32
    %add3A_12 = arith.addi %mul3A_2, %add3A_11 : i32
    "tpu.region"() ({
      %run_scoped3A = tpu.sem_alloc : memref<!tpu.dma_semaphore, #tpu.memory_space<semaphore_mem>>
      %dma_start3A = arith.constant 0 : i32
      %dma_start3A_50 = arith.constant 0 : i32
      %dma_start3A_51 = tpu.memref_slice %arg9[%dma_start3A, %dma_start3A_50] : memref<128x16xf32, #tpu.memory_space<vmem>> -> memref<128x16xf32, #tpu.memory_space<vmem>>
      %dma_start3A_52 = arith.constant 0 : i32
      %dma_start3A_53 = tpu.memref_slice %arg7[%add3A_12, %dma_start3A_52] : memref<10240x16xf32, #tpu.memory_space<vmem_shared>> -> memref<128x16xf32, #tpu.memory_space<vmem_shared>>
      %dma_start3A_54 = arith.constant 0 : i32
      %dma_start3A_55 = tpu.memref_slice %arg7[%add3A_12, %dma_start3A_54] : memref<10240x16xf32, #tpu.memory_space<vmem_shared>> -> memref<128x16xf32, #tpu.memory_space<vmem_shared>>
      %dma_start3A_56 = arith.constant 0 : i32
      %dma_start3A_57 = arith.constant 0 : i32
      %dma_start3A_58 = tpu.memref_slice %arg9[%dma_start3A_56, %dma_start3A_57] : memref<128x16xf32, #tpu.memory_space<vmem>> -> memref<128x16xf32, #tpu.memory_space<vmem>>
      tpu.enqueue_dma source(%dma_start3A_58 : memref<128x16xf32, #tpu.memory_space<vmem>>) target(%dma_start3A_55 : memref<128x16xf32, #tpu.memory_space<vmem_shared>>) target_semaphore(%run_scoped3A : memref<!tpu.dma_semaphore, #tpu.memory_space<semaphore_mem>>)
      %dma_wait3A = arith.constant 0 : i32
      %dma_wait3A_59 = arith.constant 0 : i32
      %dma_wait3A_60 = tpu.memref_slice %arg9[%dma_wait3A, %dma_wait3A_59] : memref<128x16xf32, #tpu.memory_space<vmem>> -> memref<128x16xf32, #tpu.memory_space<vmem>>
      %dma_wait3A_61 = arith.constant 0 : i32
      %dma_wait3A_62 = tpu.memref_slice %arg7[%add3A_12, %dma_wait3A_61] : memref<10240x16xf32, #tpu.memory_space<vmem_shared>> -> memref<128x16xf32, #tpu.memory_space<vmem_shared>>
      %dma_wait3A_63 = arith.constant 0 : i32
      %dma_wait3A_64 = tpu.memref_slice %arg7[%add3A_12, %dma_wait3A_63] : memref<10240x16xf32, #tpu.memory_space<vmem_shared>> -> memref<128x16xf32, #tpu.memory_space<vmem_shared>>
      %dma_wait3A_65 = arith.constant 0 : i32
      %dma_wait3A_66 = arith.constant 0 : i32
      %dma_wait3A_67 = tpu.memref_slice %arg9[%dma_wait3A_65, %dma_wait3A_66] : memref<128x16xf32, #tpu.memory_space<vmem>> -> memref<128x16xf32, #tpu.memory_space<vmem>>
      tpu.wait_dma2 semaphore(%run_scoped3A : memref<!tpu.dma_semaphore, #tpu.memory_space<semaphore_mem>>) src(%dma_wait3A_67 : memref<128x16xf32, #tpu.memory_space<vmem>>) dst(%dma_wait3A_64 : memref<128x16xf32, #tpu.memory_space<vmem_shared>>)
      tpu.yield
    }) : () -> ()
    %add3A_13 = arith.constant 128 : i32
    %add3A_14 = arith.addi %mul3A_2, %add3A_13 : i32
    "tpu.region"() ({
      %run_scoped3A = tpu.sem_alloc : memref<!tpu.dma_semaphore, #tpu.memory_space<semaphore_mem>>
      %dma_start3A = arith.constant 0 : i32
      %dma_start3A_50 = arith.constant 0 : i32
      %dma_start3A_51 = tpu.memref_slice %arg10[%dma_start3A, %dma_start3A_50] : memref<128x128xf32, #tpu.memory_space<vmem>> -> memref<128x128xf32, #tpu.memory_space<vmem>>
      %dma_start3A_52 = arith.constant 0 : i32
      %dma_start3A_53 = tpu.memref_slice %arg6[%add3A_14, %dma_start3A_52] : memref<10240x128xf32, #tpu.memory_space<vmem_shared>> -> memref<128x128xf32, #tpu.memory_space<vmem_shared>>
      %dma_start3A_54 = arith.constant 0 : i32
      %dma_start3A_55 = tpu.memref_slice %arg6[%add3A_14, %dma_start3A_54] : memref<10240x128xf32, #tpu.memory_space<vmem_shared>> -> memref<128x128xf32, #tpu.memory_space<vmem_shared>>
      %dma_start3A_56 = arith.constant 0 : i32
      %dma_start3A_57 = arith.constant 0 : i32
      %dma_start3A_58 = tpu.memref_slice %arg10[%dma_start3A_56, %dma_start3A_57] : memref<128x128xf32, #tpu.memory_space<vmem>> -> memref<128x128xf32, #tpu.memory_space<vmem>>
      tpu.enqueue_dma source(%dma_start3A_58 : memref<128x128xf32, #tpu.memory_space<vmem>>) target(%dma_start3A_55 : memref<128x128xf32, #tpu.memory_space<vmem_shared>>) target_semaphore(%run_scoped3A : memref<!tpu.dma_semaphore, #tpu.memory_space<semaphore_mem>>)
      %dma_wait3A = arith.constant 0 : i32
      %dma_wait3A_59 = arith.constant 0 : i32
      %dma_wait3A_60 = tpu.memref_slice %arg10[%dma_wait3A, %dma_wait3A_59] : memref<128x128xf32, #tpu.memory_space<vmem>> -> memref<128x128xf32, #tpu.memory_space<vmem>>
      %dma_wait3A_61 = arith.constant 0 : i32
      %dma_wait3A_62 = tpu.memref_slice %arg6[%add3A_14, %dma_wait3A_61] : memref<10240x128xf32, #tpu.memory_space<vmem_shared>> -> memref<128x128xf32, #tpu.memory_space<vmem_shared>>
      %dma_wait3A_63 = arith.constant 0 : i32
      %dma_wait3A_64 = tpu.memref_slice %arg6[%add3A_14, %dma_wait3A_63] : memref<10240x128xf32, #tpu.memory_space<vmem_shared>> -> memref<128x128xf32, #tpu.memory_space<vmem_shared>>
      %dma_wait3A_65 = arith.constant 0 : i32
      %dma_wait3A_66 = arith.constant 0 : i32
      %dma_wait3A_67 = tpu.memref_slice %arg10[%dma_wait3A_65, %dma_wait3A_66] : memref<128x128xf32, #tpu.memory_space<vmem>> -> memref<128x128xf32, #tpu.memory_space<vmem>>
      tpu.wait_dma2 semaphore(%run_scoped3A : memref<!tpu.dma_semaphore, #tpu.memory_space<semaphore_mem>>) src(%dma_wait3A_67 : memref<128x128xf32, #tpu.memory_space<vmem>>) dst(%dma_wait3A_64 : memref<128x128xf32, #tpu.memory_space<vmem_shared>>)
      tpu.yield
    }) : () -> ()
    %add3A_15 = arith.constant 128 : i32
    %add3A_16 = arith.addi %mul3A_2, %add3A_15 : i32
    "tpu.region"() ({
      %run_scoped3A = tpu.sem_alloc : memref<!tpu.dma_semaphore, #tpu.memory_space<semaphore_mem>>
      %dma_start3A = arith.constant 0 : i32
      %dma_start3A_50 = arith.constant 0 : i32
      %dma_start3A_51 = tpu.memref_slice %arg9[%dma_start3A, %dma_start3A_50] : memref<128x16xf32, #tpu.memory_space<vmem>> -> memref<128x16xf32, #tpu.memory_space<vmem>>
      %dma_start3A_52 = arith.constant 0 : i32
      %dma_start3A_53 = tpu.memref_slice %arg7[%add3A_16, %dma_start3A_52] : memref<10240x16xf32, #tpu.memory_space<vmem_shared>> -> memref<128x16xf32, #tpu.memory_space<vmem_shared>>
      %dma_start3A_54 = arith.constant 0 : i32
      %dma_start3A_55 = tpu.memref_slice %arg7[%add3A_16, %dma_start3A_54] : memref<10240x16xf32, #tpu.memory_space<vmem_shared>> -> memref<128x16xf32, #tpu.memory_space<vmem_shared>>
      %dma_start3A_56 = arith.constant 0 : i32
      %dma_start3A_57 = arith.constant 0 : i32
      %dma_start3A_58 = tpu.memref_slice %arg9[%dma_start3A_56, %dma_start3A_57] : memref<128x16xf32, #tpu.memory_space<vmem>> -> memref<128x16xf32, #tpu.memory_space<vmem>>
      tpu.enqueue_dma source(%dma_start3A_58 : memref<128x16xf32, #tpu.memory_space<vmem>>) target(%dma_start3A_55 : memref<128x16xf32, #tpu.memory_space<vmem_shared>>) target_semaphore(%run_scoped3A : memref<!tpu.dma_semaphore, #tpu.memory_space<semaphore_mem>>)
      %dma_wait3A = arith.constant 0 : i32
      %dma_wait3A_59 = arith.constant 0 : i32
      %dma_wait3A_60 = tpu.memref_slice %arg9[%dma_wait3A, %dma_wait3A_59] : memref<128x16xf32, #tpu.memory_space<vmem>> -> memref<128x16xf32, #tpu.memory_space<vmem>>
      %dma_wait3A_61 = arith.constant 0 : i32
      %dma_wait3A_62 = tpu.memref_slice %arg7[%add3A_16, %dma_wait3A_61] : memref<10240x16xf32, #tpu.memory_space<vmem_shared>> -> memref<128x16xf32, #tpu.memory_space<vmem_shared>>
      %dma_wait3A_63 = arith.constant 0 : i32
      %dma_wait3A_64 = tpu.memref_slice %arg7[%add3A_16, %dma_wait3A_63] : memref<10240x16xf32, #tpu.memory_space<vmem_shared>> -> memref<128x16xf32, #tpu.memory_space<vmem_shared>>
      %dma_wait3A_65 = arith.constant 0 : i32
      %dma_wait3A_66 = arith.constant 0 : i32
      %dma_wait3A_67 = tpu.memref_slice %arg9[%dma_wait3A_65, %dma_wait3A_66] : memref<128x16xf32, #tpu.memory_space<vmem>> -> memref<128x16xf32, #tpu.memory_space<vmem>>
      tpu.wait_dma2 semaphore(%run_scoped3A : memref<!tpu.dma_semaphore, #tpu.memory_space<semaphore_mem>>) src(%dma_wait3A_67 : memref<128x16xf32, #tpu.memory_space<vmem>>) dst(%dma_wait3A_64 : memref<128x16xf32, #tpu.memory_space<vmem_shared>>)
      tpu.yield
    }) : () -> ()
    %add3A_17 = arith.constant 256 : i32
    %add3A_18 = arith.addi %mul3A_2, %add3A_17 : i32
    "tpu.region"() ({
      %run_scoped3A = tpu.sem_alloc : memref<!tpu.dma_semaphore, #tpu.memory_space<semaphore_mem>>
      %dma_start3A = arith.constant 0 : i32
      %dma_start3A_50 = arith.constant 0 : i32
      %dma_start3A_51 = tpu.memref_slice %arg10[%dma_start3A, %dma_start3A_50] : memref<128x128xf32, #tpu.memory_space<vmem>> -> memref<128x128xf32, #tpu.memory_space<vmem>>
      %dma_start3A_52 = arith.constant 0 : i32
      %dma_start3A_53 = tpu.memref_slice %arg6[%add3A_18, %dma_start3A_52] : memref<10240x128xf32, #tpu.memory_space<vmem_shared>> -> memref<128x128xf32, #tpu.memory_space<vmem_shared>>
      %dma_start3A_54 = arith.constant 0 : i32
      %dma_start3A_55 = tpu.memref_slice %arg6[%add3A_18, %dma_start3A_54] : memref<10240x128xf32, #tpu.memory_space<vmem_shared>> -> memref<128x128xf32, #tpu.memory_space<vmem_shared>>
      %dma_start3A_56 = arith.constant 0 : i32
      %dma_start3A_57 = arith.constant 0 : i32
      %dma_start3A_58 = tpu.memref_slice %arg10[%dma_start3A_56, %dma_start3A_57] : memref<128x128xf32, #tpu.memory_space<vmem>> -> memref<128x128xf32, #tpu.memory_space<vmem>>
      tpu.enqueue_dma source(%dma_start3A_58 : memref<128x128xf32, #tpu.memory_space<vmem>>) target(%dma_start3A_55 : memref<128x128xf32, #tpu.memory_space<vmem_shared>>) target_semaphore(%run_scoped3A : memref<!tpu.dma_semaphore, #tpu.memory_space<semaphore_mem>>)
      %dma_wait3A = arith.constant 0 : i32
      %dma_wait3A_59 = arith.constant 0 : i32
      %dma_wait3A_60 = tpu.memref_slice %arg10[%dma_wait3A, %dma_wait3A_59] : memref<128x128xf32, #tpu.memory_space<vmem>> -> memref<128x128xf32, #tpu.memory_space<vmem>>
      %dma_wait3A_61 = arith.constant 0 : i32
      %dma_wait3A_62 = tpu.memref_slice %arg6[%add3A_18, %dma_wait3A_61] : memref<10240x128xf32, #tpu.memory_space<vmem_shared>> -> memref<128x128xf32, #tpu.memory_space<vmem_shared>>
      %dma_wait3A_63 = arith.constant 0 : i32
      %dma_wait3A_64 = tpu.memref_slice %arg6[%add3A_18, %dma_wait3A_63] : memref<10240x128xf32, #tpu.memory_space<vmem_shared>> -> memref<128x128xf32, #tpu.memory_space<vmem_shared>>
      %dma_wait3A_65 = arith.constant 0 : i32
      %dma_wait3A_66 = arith.constant 0 : i32
      %dma_wait3A_67 = tpu.memref_slice %arg10[%dma_wait3A_65, %dma_wait3A_66] : memref<128x128xf32, #tpu.memory_space<vmem>> -> memref<128x128xf32, #tpu.memory_space<vmem>>
      tpu.wait_dma2 semaphore(%run_scoped3A : memref<!tpu.dma_semaphore, #tpu.memory_space<semaphore_mem>>) src(%dma_wait3A_67 : memref<128x128xf32, #tpu.memory_space<vmem>>) dst(%dma_wait3A_64 : memref<128x128xf32, #tpu.memory_space<vmem_shared>>)
      tpu.yield
    }) : () -> ()
    %add3A_19 = arith.constant 256 : i32
    %add3A_20 = arith.addi %mul3A_2, %add3A_19 : i32
    "tpu.region"() ({
      %run_scoped3A = tpu.sem_alloc : memref<!tpu.dma_semaphore, #tpu.memory_space<semaphore_mem>>
      %dma_start3A = arith.constant 0 : i32
      %dma_start3A_50 = arith.constant 0 : i32
      %dma_start3A_51 = tpu.memref_slice %arg9[%dma_start3A, %dma_start3A_50] : memref<128x16xf32, #tpu.memory_space<vmem>> -> memref<128x16xf32, #tpu.memory_space<vmem>>
      %dma_start3A_52 = arith.constant 0 : i32
      %dma_start3A_53 = tpu.memref_slice %arg7[%add3A_20, %dma_start3A_52] : memref<10240x16xf32, #tpu.memory_space<vmem_shared>> -> memref<128x16xf32, #tpu.memory_space<vmem_shared>>
      %dma_start3A_54 = arith.constant 0 : i32
      %dma_start3A_55 = tpu.memref_slice %arg7[%add3A_20, %dma_start3A_54] : memref<10240x16xf32, #tpu.memory_space<vmem_shared>> -> memref<128x16xf32, #tpu.memory_space<vmem_shared>>
      %dma_start3A_56 = arith.constant 0 : i32
      %dma_start3A_57 = arith.constant 0 : i32
      %dma_start3A_58 = tpu.memref_slice %arg9[%dma_start3A_56, %dma_start3A_57] : memref<128x16xf32, #tpu.memory_space<vmem>> -> memref<128x16xf32, #tpu.memory_space<vmem>>
      tpu.enqueue_dma source(%dma_start3A_58 : memref<128x16xf32, #tpu.memory_space<vmem>>) target(%dma_start3A_55 : memref<128x16xf32, #tpu.memory_space<vmem_shared>>) target_semaphore(%run_scoped3A : memref<!tpu.dma_semaphore, #tpu.memory_space<semaphore_mem>>)
      %dma_wait3A = arith.constant 0 : i32
      %dma_wait3A_59 = arith.constant 0 : i32
      %dma_wait3A_60 = tpu.memref_slice %arg9[%dma_wait3A, %dma_wait3A_59] : memref<128x16xf32, #tpu.memory_space<vmem>> -> memref<128x16xf32, #tpu.memory_space<vmem>>
      %dma_wait3A_61 = arith.constant 0 : i32
      %dma_wait3A_62 = tpu.memref_slice %arg7[%add3A_20, %dma_wait3A_61] : memref<10240x16xf32, #tpu.memory_space<vmem_shared>> -> memref<128x16xf32, #tpu.memory_space<vmem_shared>>
      %dma_wait3A_63 = arith.constant 0 : i32
      %dma_wait3A_64 = tpu.memref_slice %arg7[%add3A_20, %dma_wait3A_63] : memref<10240x16xf32, #tpu.memory_space<vmem_shared>> -> memref<128x16xf32, #tpu.memory_space<vmem_shared>>
      %dma_wait3A_65 = arith.constant 0 : i32
      %dma_wait3A_66 = arith.constant 0 : i32
      %dma_wait3A_67 = tpu.memref_slice %arg9[%dma_wait3A_65, %dma_wait3A_66] : memref<128x16xf32, #tpu.memory_space<vmem>> -> memref<128x16xf32, #tpu.memory_space<vmem>>
      tpu.wait_dma2 semaphore(%run_scoped3A : memref<!tpu.dma_semaphore, #tpu.memory_space<semaphore_mem>>) src(%dma_wait3A_67 : memref<128x16xf32, #tpu.memory_space<vmem>>) dst(%dma_wait3A_64 : memref<128x16xf32, #tpu.memory_space<vmem_shared>>)
      tpu.yield
    }) : () -> ()
    %add3A_21 = arith.constant 384 : i32
    %add3A_22 = arith.addi %mul3A_2, %add3A_21 : i32
    "tpu.region"() ({
      %run_scoped3A = tpu.sem_alloc : memref<!tpu.dma_semaphore, #tpu.memory_space<semaphore_mem>>
      %dma_start3A = arith.constant 0 : i32
      %dma_start3A_50 = arith.constant 0 : i32
      %dma_start3A_51 = tpu.memref_slice %arg10[%dma_start3A, %dma_start3A_50] : memref<128x128xf32, #tpu.memory_space<vmem>> -> memref<128x128xf32, #tpu.memory_space<vmem>>
      %dma_start3A_52 = arith.constant 0 : i32
      %dma_start3A_53 = tpu.memref_slice %arg6[%add3A_22, %dma_start3A_52] : memref<10240x128xf32, #tpu.memory_space<vmem_shared>> -> memref<128x128xf32, #tpu.memory_space<vmem_shared>>
      %dma_start3A_54 = arith.constant 0 : i32
      %dma_start3A_55 = tpu.memref_slice %arg6[%add3A_22, %dma_start3A_54] : memref<10240x128xf32, #tpu.memory_space<vmem_shared>> -> memref<128x128xf32, #tpu.memory_space<vmem_shared>>
      %dma_start3A_56 = arith.constant 0 : i32
      %dma_start3A_57 = arith.constant 0 : i32
      %dma_start3A_58 = tpu.memref_slice %arg10[%dma_start3A_56, %dma_start3A_57] : memref<128x128xf32, #tpu.memory_space<vmem>> -> memref<128x128xf32, #tpu.memory_space<vmem>>
      tpu.enqueue_dma source(%dma_start3A_58 : memref<128x128xf32, #tpu.memory_space<vmem>>) target(%dma_start3A_55 : memref<128x128xf32, #tpu.memory_space<vmem_shared>>) target_semaphore(%run_scoped3A : memref<!tpu.dma_semaphore, #tpu.memory_space<semaphore_mem>>)
      %dma_wait3A = arith.constant 0 : i32
      %dma_wait3A_59 = arith.constant 0 : i32
      %dma_wait3A_60 = tpu.memref_slice %arg10[%dma_wait3A, %dma_wait3A_59] : memref<128x128xf32, #tpu.memory_space<vmem>> -> memref<128x128xf32, #tpu.memory_space<vmem>>
      %dma_wait3A_61 = arith.constant 0 : i32
      %dma_wait3A_62 = tpu.memref_slice %arg6[%add3A_22, %dma_wait3A_61] : memref<10240x128xf32, #tpu.memory_space<vmem_shared>> -> memref<128x128xf32, #tpu.memory_space<vmem_shared>>
      %dma_wait3A_63 = arith.constant 0 : i32
      %dma_wait3A_64 = tpu.memref_slice %arg6[%add3A_22, %dma_wait3A_63] : memref<10240x128xf32, #tpu.memory_space<vmem_shared>> -> memref<128x128xf32, #tpu.memory_space<vmem_shared>>
      %dma_wait3A_65 = arith.constant 0 : i32
      %dma_wait3A_66 = arith.constant 0 : i32
      %dma_wait3A_67 = tpu.memref_slice %arg10[%dma_wait3A_65, %dma_wait3A_66] : memref<128x128xf32, #tpu.memory_space<vmem>> -> memref<128x128xf32, #tpu.memory_space<vmem>>
      tpu.wait_dma2 semaphore(%run_scoped3A : memref<!tpu.dma_semaphore, #tpu.memory_space<semaphore_mem>>) src(%dma_wait3A_67 : memref<128x128xf32, #tpu.memory_space<vmem>>) dst(%dma_wait3A_64 : memref<128x128xf32, #tpu.memory_space<vmem_shared>>)
      tpu.yield
    }) : () -> ()
    %add3A_23 = arith.constant 384 : i32
    %add3A_24 = arith.addi %mul3A_2, %add3A_23 : i32
    "tpu.region"() ({
      %run_scoped3A = tpu.sem_alloc : memref<!tpu.dma_semaphore, #tpu.memory_space<semaphore_mem>>
      %dma_start3A = arith.constant 0 : i32
      %dma_start3A_50 = arith.constant 0 : i32
      %dma_start3A_51 = tpu.memref_slice %arg9[%dma_start3A, %dma_start3A_50] : memref<128x16xf32, #tpu.memory_space<vmem>> -> memref<128x16xf32, #tpu.memory_space<vmem>>
      %dma_start3A_52 = arith.constant 0 : i32
      %dma_start3A_53 = tpu.memref_slice %arg7[%add3A_24, %dma_start3A_52] : memref<10240x16xf32, #tpu.memory_space<vmem_shared>> -> memref<128x16xf32, #tpu.memory_space<vmem_shared>>
      %dma_start3A_54 = arith.constant 0 : i32
      %dma_start3A_55 = tpu.memref_slice %arg7[%add3A_24, %dma_start3A_54] : memref<10240x16xf32, #tpu.memory_space<vmem_shared>> -> memref<128x16xf32, #tpu.memory_space<vmem_shared>>
      %dma_start3A_56 = arith.constant 0 : i32
      %dma_start3A_57 = arith.constant 0 : i32
      %dma_start3A_58 = tpu.memref_slice %arg9[%dma_start3A_56, %dma_start3A_57] : memref<128x16xf32, #tpu.memory_space<vmem>> -> memref<128x16xf32, #tpu.memory_space<vmem>>
      tpu.enqueue_dma source(%dma_start3A_58 : memref<128x16xf32, #tpu.memory_space<vmem>>) target(%dma_start3A_55 : memref<128x16xf32, #tpu.memory_space<vmem_shared>>) target_semaphore(%run_scoped3A : memref<!tpu.dma_semaphore, #tpu.memory_space<semaphore_mem>>)
      %dma_wait3A = arith.constant 0 : i32
      %dma_wait3A_59 = arith.constant 0 : i32
      %dma_wait3A_60 = tpu.memref_slice %arg9[%dma_wait3A, %dma_wait3A_59] : memref<128x16xf32, #tpu.memory_space<vmem>> -> memref<128x16xf32, #tpu.memory_space<vmem>>
      %dma_wait3A_61 = arith.constant 0 : i32
      %dma_wait3A_62 = tpu.memref_slice %arg7[%add3A_24, %dma_wait3A_61] : memref<10240x16xf32, #tpu.memory_space<vmem_shared>> -> memref<128x16xf32, #tpu.memory_space<vmem_shared>>
      %dma_wait3A_63 = arith.constant 0 : i32
      %dma_wait3A_64 = tpu.memref_slice %arg7[%add3A_24, %dma_wait3A_63] : memref<10240x16xf32, #tpu.memory_space<vmem_shared>> -> memref<128x16xf32, #tpu.memory_space<vmem_shared>>
      %dma_wait3A_65 = arith.constant 0 : i32
      %dma_wait3A_66 = arith.constant 0 : i32
      %dma_wait3A_67 = tpu.memref_slice %arg9[%dma_wait3A_65, %dma_wait3A_66] : memref<128x16xf32, #tpu.memory_space<vmem>> -> memref<128x16xf32, #tpu.memory_space<vmem>>
      tpu.wait_dma2 semaphore(%run_scoped3A : memref<!tpu.dma_semaphore, #tpu.memory_space<semaphore_mem>>) src(%dma_wait3A_67 : memref<128x16xf32, #tpu.memory_space<vmem>>) dst(%dma_wait3A_64 : memref<128x16xf32, #tpu.memory_space<vmem_shared>>)
      tpu.yield
    }) : () -> ()
    %add3A_25 = arith.constant 512 : i32
    %add3A_26 = arith.addi %mul3A_2, %add3A_25 : i32
    "tpu.region"() ({
      %run_scoped3A = tpu.sem_alloc : memref<!tpu.dma_semaphore, #tpu.memory_space<semaphore_mem>>
      %dma_start3A = arith.constant 0 : i32
      %dma_start3A_50 = arith.constant 0 : i32
      %dma_start3A_51 = tpu.memref_slice %arg10[%dma_start3A, %dma_start3A_50] : memref<128x128xf32, #tpu.memory_space<vmem>> -> memref<128x128xf32, #tpu.memory_space<vmem>>
      %dma_start3A_52 = arith.constant 0 : i32
      %dma_start3A_53 = tpu.memref_slice %arg6[%add3A_26, %dma_start3A_52] : memref<10240x128xf32, #tpu.memory_space<vmem_shared>> -> memref<128x128xf32, #tpu.memory_space<vmem_shared>>
      %dma_start3A_54 = arith.constant 0 : i32
      %dma_start3A_55 = tpu.memref_slice %arg6[%add3A_26, %dma_start3A_54] : memref<10240x128xf32, #tpu.memory_space<vmem_shared>> -> memref<128x128xf32, #tpu.memory_space<vmem_shared>>
      %dma_start3A_56 = arith.constant 0 : i32
      %dma_start3A_57 = arith.constant 0 : i32
      %dma_start3A_58 = tpu.memref_slice %arg10[%dma_start3A_56, %dma_start3A_57] : memref<128x128xf32, #tpu.memory_space<vmem>> -> memref<128x128xf32, #tpu.memory_space<vmem>>
      tpu.enqueue_dma source(%dma_start3A_58 : memref<128x128xf32, #tpu.memory_space<vmem>>) target(%dma_start3A_55 : memref<128x128xf32, #tpu.memory_space<vmem_shared>>) target_semaphore(%run_scoped3A : memref<!tpu.dma_semaphore, #tpu.memory_space<semaphore_mem>>)
      %dma_wait3A = arith.constant 0 : i32
      %dma_wait3A_59 = arith.constant 0 : i32
      %dma_wait3A_60 = tpu.memref_slice %arg10[%dma_wait3A, %dma_wait3A_59] : memref<128x128xf32, #tpu.memory_space<vmem>> -> memref<128x128xf32, #tpu.memory_space<vmem>>
      %dma_wait3A_61 = arith.constant 0 : i32
      %dma_wait3A_62 = tpu.memref_slice %arg6[%add3A_26, %dma_wait3A_61] : memref<10240x128xf32, #tpu.memory_space<vmem_shared>> -> memref<128x128xf32, #tpu.memory_space<vmem_shared>>
      %dma_wait3A_63 = arith.constant 0 : i32
      %dma_wait3A_64 = tpu.memref_slice %arg6[%add3A_26, %dma_wait3A_63] : memref<10240x128xf32, #tpu.memory_space<vmem_shared>> -> memref<128x128xf32, #tpu.memory_space<vmem_shared>>
      %dma_wait3A_65 = arith.constant 0 : i32
      %dma_wait3A_66 = arith.constant 0 : i32
      %dma_wait3A_67 = tpu.memref_slice %arg10[%dma_wait3A_65, %dma_wait3A_66] : memref<128x128xf32, #tpu.memory_space<vmem>> -> memref<128x128xf32, #tpu.memory_space<vmem>>
      tpu.wait_dma2 semaphore(%run_scoped3A : memref<!tpu.dma_semaphore, #tpu.memory_space<semaphore_mem>>) src(%dma_wait3A_67 : memref<128x128xf32, #tpu.memory_space<vmem>>) dst(%dma_wait3A_64 : memref<128x128xf32, #tpu.memory_space<vmem_shared>>)
      tpu.yield
    }) : () -> ()
    %add3A_27 = arith.constant 512 : i32
    %add3A_28 = arith.addi %mul3A_2, %add3A_27 : i32
    "tpu.region"() ({
      %run_scoped3A = tpu.sem_alloc : memref<!tpu.dma_semaphore, #tpu.memory_space<semaphore_mem>>
      %dma_start3A = arith.constant 0 : i32
      %dma_start3A_50 = arith.constant 0 : i32
      %dma_start3A_51 = tpu.memref_slice %arg9[%dma_start3A, %dma_start3A_50] : memref<128x16xf32, #tpu.memory_space<vmem>> -> memref<128x16xf32, #tpu.memory_space<vmem>>
      %dma_start3A_52 = arith.constant 0 : i32
      %dma_start3A_53 = tpu.memref_slice %arg7[%add3A_28, %dma_start3A_52] : memref<10240x16xf32, #tpu.memory_space<vmem_shared>> -> memref<128x16xf32, #tpu.memory_space<vmem_shared>>
      %dma_start3A_54 = arith.constant 0 : i32
      %dma_start3A_55 = tpu.memref_slice %arg7[%add3A_28, %dma_start3A_54] : memref<10240x16xf32, #tpu.memory_space<vmem_shared>> -> memref<128x16xf32, #tpu.memory_space<vmem_shared>>
      %dma_start3A_56 = arith.constant 0 : i32
      %dma_start3A_57 = arith.constant 0 : i32
      %dma_start3A_58 = tpu.memref_slice %arg9[%dma_start3A_56, %dma_start3A_57] : memref<128x16xf32, #tpu.memory_space<vmem>> -> memref<128x16xf32, #tpu.memory_space<vmem>>
      tpu.enqueue_dma source(%dma_start3A_58 : memref<128x16xf32, #tpu.memory_space<vmem>>) target(%dma_start3A_55 : memref<128x16xf32, #tpu.memory_space<vmem_shared>>) target_semaphore(%run_scoped3A : memref<!tpu.dma_semaphore, #tpu.memory_space<semaphore_mem>>)
      %dma_wait3A = arith.constant 0 : i32
      %dma_wait3A_59 = arith.constant 0 : i32
      %dma_wait3A_60 = tpu.memref_slice %arg9[%dma_wait3A, %dma_wait3A_59] : memref<128x16xf32, #tpu.memory_space<vmem>> -> memref<128x16xf32, #tpu.memory_space<vmem>>
      %dma_wait3A_61 = arith.constant 0 : i32
      %dma_wait3A_62 = tpu.memref_slice %arg7[%add3A_28, %dma_wait3A_61] : memref<10240x16xf32, #tpu.memory_space<vmem_shared>> -> memref<128x16xf32, #tpu.memory_space<vmem_shared>>
      %dma_wait3A_63 = arith.constant 0 : i32
      %dma_wait3A_64 = tpu.memref_slice %arg7[%add3A_28, %dma_wait3A_63] : memref<10240x16xf32, #tpu.memory_space<vmem_shared>> -> memref<128x16xf32, #tpu.memory_space<vmem_shared>>
      %dma_wait3A_65 = arith.constant 0 : i32
      %dma_wait3A_66 = arith.constant 0 : i32
      %dma_wait3A_67 = tpu.memref_slice %arg9[%dma_wait3A_65, %dma_wait3A_66] : memref<128x16xf32, #tpu.memory_space<vmem>> -> memref<128x16xf32, #tpu.memory_space<vmem>>
      tpu.wait_dma2 semaphore(%run_scoped3A : memref<!tpu.dma_semaphore, #tpu.memory_space<semaphore_mem>>) src(%dma_wait3A_67 : memref<128x16xf32, #tpu.memory_space<vmem>>) dst(%dma_wait3A_64 : memref<128x16xf32, #tpu.memory_space<vmem_shared>>)
      tpu.yield
    }) : () -> ()
    %broadcast_in_dim3A_29 = arith.constant 1.000000e+00 : f32
    %broadcast_in_dim3A_30 = vector.broadcast %broadcast_in_dim3A_29 : f32 to vector<16xf32>
    %scan3A_31 = arith.constant 0 : i32
    %scan3A_32 = arith.constant 0 : i32
    %scan3A_33 = arith.constant 128 : i32
    %scan3A_34 = arith.addi %scan3A_32, %scan3A_33 : i32
    %scan3A_35 = arith.constant 1 : i32
    scf.for %scan3A_50 = %scan3A_32 to %scan3A_34 step %scan3A_35  : i32 {
      %swap3A = arith.index_cast %scan3A_50 : i32 to index
      %swap3A_51 = arith.constant 0 : index
      %swap3A_52 = tpu.vector_load %arg9[%swap3A, %swap3A_51] {strides = array<i32>} : memref<128x16xf32, #tpu.memory_space<vmem>>, vector<1x16xf32>,
      %swap3A_53 = vector.shape_cast %swap3A_52 : vector<1x16xf32> to vector<16xf32>
      %swap3A_54 = vector.shape_cast %broadcast_in_dim3A_30 : vector<16xf32> to vector<1x16xf32>
      tpu.vector_store %arg9[%swap3A, %swap3A_51], %swap3A_54 {strides = array<i32>} : memref<128x16xf32, #tpu.memory_space<vmem>>, vector<1x16xf32>,
    }
    %scan3A_36 = arith.constant 128 : i32
    %barrier3A = arith.constant 0 : index
    tpu.barrier barrier_id(%barrier3A)
    %eq3A = arith.constant 0 : i32
    %eq3A_37 = arith.cmpi eq, %arg0, %eq3A : i32
    %select_n3A = arith.constant 4 : i32
    %select_n3A_38 = arith.constant 36 : i32
    %select_n3A_39 = arith.select %eq3A_37, %select_n3A_38, %select_n3A : i32
    %while3A = arith.constant 0 : i32
    %while3A_40 = arith.constant 0 : i32
    %while3A_41 = arith.subi %select_n3A_39, %while3A_40 : i32
    %while3A_42 = arith.addi %while3A_40, %while3A_41 : i32
    %while3A_43 = arith.constant 1 : i32
    %while3A_44 = arith.divsi %while3A_41, %while3A_43 : i32
    %while3A_45 = arith.muli %while3A_44, %while3A_43 : i32
    %while3A_46 = arith.addi %while3A_40, %while3A_45 : i32
    %while3A_47 = arith.constant 1 : i32
    scf.for %while3A_50 = %while3A_40 to %while3A_46 step %while3A_47  : i32 {
      %mul3A_51 = arith.constant 4 : i32
      %mul3A_52 = arith.muli %while3A_50, %mul3A_51 : i32
      "tpu.region"() ({
        %run_scoped3A_130 = tpu.sem_alloc : memref<!tpu.dma_semaphore, #tpu.memory_space<semaphore_mem>>
        %dma_start3A_131 = arith.constant 0 : i32
        %dma_start3A_132 = arith.constant 0 : i32
        %dma_start3A_133 = tpu.memref_slice %arg3[%add3A, %mul3A_52, %dma_start3A_131, %dma_start3A_132] : memref<32x144x2x128xi32, #tpu.memory_space<hbm>> -> memref<1x4x2x128xi32, #tpu.memory_space<hbm>>
        %dma_start3A_134 = tpu.memref_squeeze %dma_start3A_133 : memref<1x4x2x128xi32, #tpu.memory_space<hbm>> -> memref<4x2x128xi32, #tpu.memory_space<hbm>>
        %dma_start3A_135 = arith.constant 0 : i32
        %dma_start3A_136 = arith.constant 0 : i32
        %dma_start3A_137 = tpu.memref_slice %arg3[%add3A, %mul3A_52, %dma_start3A_135, %dma_start3A_136] : memref<32x144x2x128xi32, #tpu.memory_space<hbm>> -> memref<1x4x2x128xi32, #tpu.memory_space<hbm>>
        %dma_start3A_138 = tpu.memref_squeeze %dma_start3A_137 : memref<1x4x2x128xi32, #tpu.memory_space<hbm>> -> memref<4x2x128xi32, #tpu.memory_space<hbm>>
        tpu.enqueue_dma source(%dma_start3A_138 : memref<4x2x128xi32, #tpu.memory_space<hbm>>) target(%arg8 : memref<4x2x128xi32, #tpu.memory_space<vmem>>) target_semaphore(%run_scoped3A_130 : memref<!tpu.dma_semaphore, #tpu.memory_space<semaphore_mem>>)
        %dma_wait3A_139 = arith.constant 0 : i32
        %dma_wait3A_140 = arith.constant 0 : i32
        %dma_wait3A_141 = tpu.memref_slice %arg3[%add3A, %mul3A_52, %dma_wait3A_139, %dma_wait3A_140] : memref<32x144x2x128xi32, #tpu.memory_space<hbm>> -> memref<1x4x2x128xi32, #tpu.memory_space<hbm>>
        %dma_wait3A_142 = tpu.memref_squeeze %dma_wait3A_141 : memref<1x4x2x128xi32, #tpu.memory_space<hbm>> -> memref<4x2x128xi32, #tpu.memory_space<hbm>>
        %dma_wait3A_143 = arith.constant 0 : i32
        %dma_wait3A_144 = arith.constant 0 : i32
        %dma_wait3A_145 = tpu.memref_slice %arg3[%add3A, %mul3A_52, %dma_wait3A_143, %dma_wait3A_144] : memref<32x144x2x128xi32, #tpu.memory_space<hbm>> -> memref<1x4x2x128xi32, #tpu.memory_space<hbm>>
        %dma_wait3A_146 = tpu.memref_squeeze %dma_wait3A_145 : memref<1x4x2x128xi32, #tpu.memory_space<hbm>> -> memref<4x2x128xi32, #tpu.memory_space<hbm>>
        tpu.wait_dma2 semaphore(%run_scoped3A_130 : memref<!tpu.dma_semaphore, #tpu.memory_space<semaphore_mem>>) src(%dma_wait3A_146 : memref<4x2x128xi32, #tpu.memory_space<hbm>>) dst(%arg8 : memref<4x2x128xi32, #tpu.memory_space<vmem>>)
        tpu.yield
      }) : () -> ()
      %dma_start3A = arith.constant 0 : i32
      %dma_start3A_53 = arith.constant 0 : i32
      %dma_start3A_54 = arith.constant 0 : i32
      %dma_start3A_55 = tpu.memref_slice %arg8[%dma_start3A, %dma_start3A_53, %dma_start3A_54] : memref<4x2x128xi32, #tpu.memory_space<vmem>> -> memref<1x1x128xi32, #tpu.memory_space<vmem>>
      %dma_start3A_56 = tpu.memref_squeeze %dma_start3A_55 : memref<1x1x128xi32, #tpu.memory_space<vmem>> -> memref<128xi32, #tpu.memory_space<vmem>>
      %dma_start3A_57 = arith.constant 0 : i32
      %dma_start3A_58 = arith.constant 0 : i32
      %dma_start3A_59 = tpu.memref_slice %arg2[%dma_start3A_57, %dma_start3A_58] : memref<10000x128xf32, #tpu.memory_space<hbm>> -> memref<10000x128xf32, #tpu.memory_space<hbm>>
      tpu.enqueue_indirect_dma source(%dma_start3A_59 : memref<10000x128xf32, #tpu.memory_space<hbm>>) target(%arg10 : memref<128x128xf32, #tpu.memory_space<vmem>>) offsets(%dma_start3A_56 : memref<128xi32, #tpu.memory_space<vmem>>) semaphore(%arg12 : memref<!tpu.dma_semaphore, #tpu.memory_space<semaphore_mem>>)
      %dma_wait3A = arith.constant 0 : i32
      %dma_wait3A_60 = arith.constant 0 : i32
      %dma_wait3A_61 = arith.constant 0 : i32
      %dma_wait3A_62 = tpu.memref_slice %arg8[%dma_wait3A, %dma_wait3A_60, %dma_wait3A_61] : memref<4x2x128xi32, #tpu.memory_space<vmem>> -> memref<1x1x128xi32, #tpu.memory_space<vmem>>
      %dma_wait3A_63 = tpu.memref_squeeze %dma_wait3A_62 : memref<1x1x128xi32, #tpu.memory_space<vmem>> -> memref<128xi32, #tpu.memory_space<vmem>>
      %dma_wait3A_64 = arith.constant 0 : i32
      %dma_wait3A_65 = arith.constant 0 : i32
      %dma_wait3A_66 = tpu.memref_slice %arg2[%dma_wait3A_64, %dma_wait3A_65] : memref<10000x128xf32, #tpu.memory_space<hbm>> -> memref<10000x128xf32, #tpu.memory_space<hbm>>
      tpu.wait_indirect_dma semaphore(%arg12 : memref<!tpu.dma_semaphore, #tpu.memory_space<semaphore_mem>>) src(%dma_wait3A_66 : memref<10000x128xf32, #tpu.memory_space<hbm>>) dst(%arg10 : memref<128x128xf32, #tpu.memory_space<vmem>>)
      %dma_start3A_67 = arith.constant 1 : i32
      %dma_start3A_68 = arith.constant 0 : i32
      %dma_start3A_69 = arith.constant 0 : i32
      %dma_start3A_70 = tpu.memref_slice %arg8[%dma_start3A_67, %dma_start3A_68, %dma_start3A_69] : memref<4x2x128xi32, #tpu.memory_space<vmem>> -> memref<1x1x128xi32, #tpu.memory_space<vmem>>
      %dma_start3A_71 = tpu.memref_squeeze %dma_start3A_70 : memref<1x1x128xi32, #tpu.memory_space<vmem>> -> memref<128xi32, #tpu.memory_space<vmem>>
      %dma_start3A_72 = arith.constant 0 : i32
      %dma_start3A_73 = arith.constant 0 : i32
      %dma_start3A_74 = tpu.memref_slice %arg2[%dma_start3A_72, %dma_start3A_73] : memref<10000x128xf32, #tpu.memory_space<hbm>> -> memref<10000x128xf32, #tpu.memory_space<hbm>>
      tpu.enqueue_indirect_dma source(%dma_start3A_74 : memref<10000x128xf32, #tpu.memory_space<hbm>>) target(%arg11 : memref<128x128xf32, #tpu.memory_space<vmem>>) offsets(%dma_start3A_71 : memref<128xi32, #tpu.memory_space<vmem>>) semaphore(%arg13 : memref<!tpu.dma_semaphore, #tpu.memory_space<semaphore_mem>>)
      %run_scoped3A = arith.constant 0 : i32
      %run_scoped3A_75 = arith.constant 1 : i32
      "tpu.region"() ({
        %run_scoped3A_130 = tpu.sem_alloc : memref<!tpu.dma_semaphore, #tpu.memory_space<semaphore_mem>>
        %dma_start3A_131 = arith.constant 0 : i32
        %dma_start3A_132 = tpu.memref_slice %arg8[%run_scoped3A, %run_scoped3A_75, %dma_start3A_131] : memref<4x2x128xi32, #tpu.memory_space<vmem>> -> memref<1x1x128xi32, #tpu.memory_space<vmem>>
        %dma_start3A_133 = tpu.memref_squeeze %dma_start3A_132 : memref<1x1x128xi32, #tpu.memory_space<vmem>> -> memref<128xi32, #tpu.memory_space<vmem>>
        %dma_start3A_134 = arith.constant 0 : i32
        %dma_start3A_135 = arith.constant 0 : i32
        %dma_start3A_136 = tpu.memref_slice %arg6[%dma_start3A_134, %dma_start3A_135] : memref<10240x128xf32, #tpu.memory_space<vmem_shared>> -> memref<10240x128xf32, #tpu.memory_space<vmem_shared>>
        tpu.enqueue_indirect_dma source(%arg10 : memref<128x128xf32, #tpu.memory_space<vmem>>) target(%dma_start3A_136 : memref<10240x128xf32, #tpu.memory_space<vmem_shared>>) offsets(%dma_start3A_133 : memref<128xi32, #tpu.memory_space<vmem>>) semaphore(%run_scoped3A_130 : memref<!tpu.dma_semaphore, #tpu.memory_space<semaphore_mem>>) {add = true}
        %dma_wait3A_137 = arith.constant 0 : i32
        %dma_wait3A_138 = tpu.memref_slice %arg8[%run_scoped3A, %run_scoped3A_75, %dma_wait3A_137] : memref<4x2x128xi32, #tpu.memory_space<vmem>> -> memref<1x1x128xi32, #tpu.memory_space<vmem>>
        %dma_wait3A_139 = tpu.memref_squeeze %dma_wait3A_138 : memref<1x1x128xi32, #tpu.memory_space<vmem>> -> memref<128xi32, #tpu.memory_space<vmem>>
        %dma_wait3A_140 = arith.constant 0 : i32
        %dma_wait3A_141 = arith.constant 0 : i32
        %dma_wait3A_142 = tpu.memref_slice %arg6[%dma_wait3A_140, %dma_wait3A_141] : memref<10240x128xf32, #tpu.memory_space<vmem_shared>> -> memref<10240x128xf32, #tpu.memory_space<vmem_shared>>
        tpu.wait_indirect_dma semaphore(%run_scoped3A_130 : memref<!tpu.dma_semaphore, #tpu.memory_space<semaphore_mem>>) src(%arg10 : memref<128x128xf32, #tpu.memory_space<vmem>>) dst(%dma_wait3A_142 : memref<10240x128xf32, #tpu.memory_space<vmem_shared>>)
        tpu.yield
      }) : () -> ()
      %run_scoped3A_76 = arith.constant 0 : i32
      %run_scoped3A_77 = arith.constant 1 : i32
      "tpu.region"() ({
        %run_scoped3A_130 = tpu.sem_alloc : memref<!tpu.dma_semaphore, #tpu.memory_space<semaphore_mem>>
        %dma_start3A_131 = arith.constant 0 : i32
        %dma_start3A_132 = tpu.memref_slice %arg8[%run_scoped3A_76, %run_scoped3A_77, %dma_start3A_131] : memref<4x2x128xi32, #tpu.memory_space<vmem>> -> memref<1x1x128xi32, #tpu.memory_space<vmem>>
        %dma_start3A_133 = tpu.memref_squeeze %dma_start3A_132 : memref<1x1x128xi32, #tpu.memory_space<vmem>> -> memref<128xi32, #tpu.memory_space<vmem>>
        %dma_start3A_134 = arith.constant 0 : i32
        %dma_start3A_135 = arith.constant 0 : i32
        %dma_start3A_136 = tpu.memref_slice %arg7[%dma_start3A_134, %dma_start3A_135] : memref<10240x16xf32, #tpu.memory_space<vmem_shared>> -> memref<10240x16xf32, #tpu.memory_space<vmem_shared>>
        tpu.enqueue_indirect_dma source(%arg9 : memref<128x16xf32, #tpu.memory_space<vmem>>) target(%dma_start3A_136 : memref<10240x16xf32, #tpu.memory_space<vmem_shared>>) offsets(%dma_start3A_133 : memref<128xi32, #tpu.memory_space<vmem>>) semaphore(%run_scoped3A_130 : memref<!tpu.dma_semaphore, #tpu.memory_space<semaphore_mem>>) {add = true}
        %dma_wait3A_137 = arith.constant 0 : i32
        %dma_wait3A_138 = tpu.memref_slice %arg8[%run_scoped3A_76, %run_scoped3A_77, %dma_wait3A_137] : memref<4x2x128xi32, #tpu.memory_space<vmem>> -> memref<1x1x128xi32, #tpu.memory_space<vmem>>
        %dma_wait3A_139 = tpu.memref_squeeze %dma_wait3A_138 : memref<1x1x128xi32, #tpu.memory_space<vmem>> -> memref<128xi32, #tpu.memory_space<vmem>>
        %dma_wait3A_140 = arith.constant 0 : i32
        %dma_wait3A_141 = arith.constant 0 : i32
        %dma_wait3A_142 = tpu.memref_slice %arg7[%dma_wait3A_140, %dma_wait3A_141] : memref<10240x16xf32, #tpu.memory_space<vmem_shared>> -> memref<10240x16xf32, #tpu.memory_space<vmem_shared>>
        tpu.wait_indirect_dma semaphore(%run_scoped3A_130 : memref<!tpu.dma_semaphore, #tpu.memory_space<semaphore_mem>>) src(%arg9 : memref<128x16xf32, #tpu.memory_space<vmem>>) dst(%dma_wait3A_142 : memref<10240x16xf32, #tpu.memory_space<vmem_shared>>)
        tpu.yield
      }) : () -> ()
      %dma_wait3A_78 = arith.constant 1 : i32
      %dma_wait3A_79 = arith.constant 0 : i32
      %dma_wait3A_80 = arith.constant 0 : i32
      %dma_wait3A_81 = tpu.memref_slice %arg8[%dma_wait3A_78, %dma_wait3A_79, %dma_wait3A_80] : memref<4x2x128xi32, #tpu.memory_space<vmem>> -> memref<1x1x128xi32, #tpu.memory_space<vmem>>
      %dma_wait3A_82 = tpu.memref_squeeze %dma_wait3A_81 : memref<1x1x128xi32, #tpu.memory_space<vmem>> -> memref<128xi32, #tpu.memory_space<vmem>>
      %dma_wait3A_83 = arith.constant 0 : i32
      %dma_wait3A_84 = arith.constant 0 : i32
      %dma_wait3A_85 = tpu.memref_slice %arg2[%dma_wait3A_83, %dma_wait3A_84] : memref<10000x128xf32, #tpu.memory_space<hbm>> -> memref<10000x128xf32, #tpu.memory_space<hbm>>
      tpu.wait_indirect_dma semaphore(%arg13 : memref<!tpu.dma_semaphore, #tpu.memory_space<semaphore_mem>>) src(%dma_wait3A_85 : memref<10000x128xf32, #tpu.memory_space<hbm>>) dst(%arg11 : memref<128x128xf32, #tpu.memory_space<vmem>>)
      %dma_start3A_86 = arith.constant 2 : i32
      %dma_start3A_87 = arith.constant 0 : i32
      %dma_start3A_88 = arith.constant 0 : i32
      %dma_start3A_89 = tpu.memref_slice %arg8[%dma_start3A_86, %dma_start3A_87, %dma_start3A_88] : memref<4x2x128xi32, #tpu.memory_space<vmem>> -> memref<1x1x128xi32, #tpu.memory_space<vmem>>
      %dma_start3A_90 = tpu.memref_squeeze %dma_start3A_89 : memref<1x1x128xi32, #tpu.memory_space<vmem>> -> memref<128xi32, #tpu.memory_space<vmem>>
      %dma_start3A_91 = arith.constant 0 : i32
      %dma_start3A_92 = arith.constant 0 : i32
      %dma_start3A_93 = tpu.memref_slice %arg2[%dma_start3A_91, %dma_start3A_92] : memref<10000x128xf32, #tpu.memory_space<hbm>> -> memref<10000x128xf32, #tpu.memory_space<hbm>>
      tpu.enqueue_indirect_dma source(%dma_start3A_93 : memref<10000x128xf32, #tpu.memory_space<hbm>>) target(%arg10 : memref<128x128xf32, #tpu.memory_space<vmem>>) offsets(%dma_start3A_90 : memref<128xi32, #tpu.memory_space<vmem>>) semaphore(%arg12 : memref<!tpu.dma_semaphore, #tpu.memory_space<semaphore_mem>>)
      %run_scoped3A_94 = arith.constant 1 : i32
      %run_scoped3A_95 = arith.constant 1 : i32
      "tpu.region"() ({
        %run_scoped3A_130 = tpu.sem_alloc : memref<!tpu.dma_semaphore, #tpu.memory_space<semaphore_mem>>
        %dma_start3A_131 = arith.constant 0 : i32
        %dma_start3A_132 = tpu.memref_slice %arg8[%run_scoped3A_94, %run_scoped3A_95, %dma_start3A_131] : memref<4x2x128xi32, #tpu.memory_space<vmem>> -> memref<1x1x128xi32, #tpu.memory_space<vmem>>
        %dma_start3A_133 = tpu.memref_squeeze %dma_start3A_132 : memref<1x1x128xi32, #tpu.memory_space<vmem>> -> memref<128xi32, #tpu.memory_space<vmem>>
        %dma_start3A_134 = arith.constant 0 : i32
        %dma_start3A_135 = arith.constant 0 : i32
        %dma_start3A_136 = tpu.memref_slice %arg6[%dma_start3A_134, %dma_start3A_135] : memref<10240x128xf32, #tpu.memory_space<vmem_shared>> -> memref<10240x128xf32, #tpu.memory_space<vmem_shared>>
        tpu.enqueue_indirect_dma source(%arg11 : memref<128x128xf32, #tpu.memory_space<vmem>>) target(%dma_start3A_136 : memref<10240x128xf32, #tpu.memory_space<vmem_shared>>) offsets(%dma_start3A_133 : memref<128xi32, #tpu.memory_space<vmem>>) semaphore(%run_scoped3A_130 : memref<!tpu.dma_semaphore, #tpu.memory_space<semaphore_mem>>) {add = true}
        %dma_wait3A_137 = arith.constant 0 : i32
        %dma_wait3A_138 = tpu.memref_slice %arg8[%run_scoped3A_94, %run_scoped3A_95, %dma_wait3A_137] : memref<4x2x128xi32, #tpu.memory_space<vmem>> -> memref<1x1x128xi32, #tpu.memory_space<vmem>>
        %dma_wait3A_139 = tpu.memref_squeeze %dma_wait3A_138 : memref<1x1x128xi32, #tpu.memory_space<vmem>> -> memref<128xi32, #tpu.memory_space<vmem>>
        %dma_wait3A_140 = arith.constant 0 : i32
        %dma_wait3A_141 = arith.constant 0 : i32
        %dma_wait3A_142 = tpu.memref_slice %arg6[%dma_wait3A_140, %dma_wait3A_141] : memref<10240x128xf32, #tpu.memory_space<vmem_shared>> -> memref<10240x128xf32, #tpu.memory_space<vmem_shared>>
        tpu.wait_indirect_dma semaphore(%run_scoped3A_130 : memref<!tpu.dma_semaphore, #tpu.memory_space<semaphore_mem>>) src(%arg11 : memref<128x128xf32, #tpu.memory_space<vmem>>) dst(%dma_wait3A_142 : memref<10240x128xf32, #tpu.memory_space<vmem_shared>>)
        tpu.yield
      }) : () -> ()
      %run_scoped3A_96 = arith.constant 1 : i32
      %run_scoped3A_97 = arith.constant 1 : i32
      "tpu.region"() ({
        %run_scoped3A_130 = tpu.sem_alloc : memref<!tpu.dma_semaphore, #tpu.memory_space<semaphore_mem>>
        %dma_start3A_131 = arith.constant 0 : i32
        %dma_start3A_132 = tpu.memref_slice %arg8[%run_scoped3A_96, %run_scoped3A_97, %dma_start3A_131] : memref<4x2x128xi32, #tpu.memory_space<vmem>> -> memref<1x1x128xi32, #tpu.memory_space<vmem>>
        %dma_start3A_133 = tpu.memref_squeeze %dma_start3A_132 : memref<1x1x128xi32, #tpu.memory_space<vmem>> -> memref<128xi32, #tpu.memory_space<vmem>>
        %dma_start3A_134 = arith.constant 0 : i32
        %dma_start3A_135 = arith.constant 0 : i32
        %dma_start3A_136 = tpu.memref_slice %arg7[%dma_start3A_134, %dma_start3A_135] : memref<10240x16xf32, #tpu.memory_space<vmem_shared>> -> memref<10240x16xf32, #tpu.memory_space<vmem_shared>>
        tpu.enqueue_indirect_dma source(%arg9 : memref<128x16xf32, #tpu.memory_space<vmem>>) target(%dma_start3A_136 : memref<10240x16xf32, #tpu.memory_space<vmem_shared>>) offsets(%dma_start3A_133 : memref<128xi32, #tpu.memory_space<vmem>>) semaphore(%run_scoped3A_130 : memref<!tpu.dma_semaphore, #tpu.memory_space<semaphore_mem>>) {add = true}
        %dma_wait3A_137 = arith.constant 0 : i32
        %dma_wait3A_138 = tpu.memref_slice %arg8[%run_scoped3A_96, %run_scoped3A_97, %dma_wait3A_137] : memref<4x2x128xi32, #tpu.memory_space<vmem>> -> memref<1x1x128xi32, #tpu.memory_space<vmem>>
        %dma_wait3A_139 = tpu.memref_squeeze %dma_wait3A_138 : memref<1x1x128xi32, #tpu.memory_space<vmem>> -> memref<128xi32, #tpu.memory_space<vmem>>
        %dma_wait3A_140 = arith.constant 0 : i32
        %dma_wait3A_141 = arith.constant 0 : i32
        %dma_wait3A_142 = tpu.memref_slice %arg7[%dma_wait3A_140, %dma_wait3A_141] : memref<10240x16xf32, #tpu.memory_space<vmem_shared>> -> memref<10240x16xf32, #tpu.memory_space<vmem_shared>>
        tpu.wait_indirect_dma semaphore(%run_scoped3A_130 : memref<!tpu.dma_semaphore, #tpu.memory_space<semaphore_mem>>) src(%arg9 : memref<128x16xf32, #tpu.memory_space<vmem>>) dst(%dma_wait3A_142 : memref<10240x16xf32, #tpu.memory_space<vmem_shared>>)
        tpu.yield
      }) : () -> ()
      %dma_wait3A_98 = arith.constant 2 : i32
      %dma_wait3A_99 = arith.constant 0 : i32
      %dma_wait3A_100 = arith.constant 0 : i32
      %dma_wait3A_101 = tpu.memref_slice %arg8[%dma_wait3A_98, %dma_wait3A_99, %dma_wait3A_100] : memref<4x2x128xi32, #tpu.memory_space<vmem>> -> memref<1x1x128xi32, #tpu.memory_space<vmem>>
      %dma_wait3A_102 = tpu.memref_squeeze %dma_wait3A_101 : memref<1x1x128xi32, #tpu.memory_space<vmem>> -> memref<128xi32, #tpu.memory_space<vmem>>
      %dma_wait3A_103 = arith.constant 0 : i32
      %dma_wait3A_104 = arith.constant 0 : i32
      %dma_wait3A_105 = tpu.memref_slice %arg2[%dma_wait3A_103, %dma_wait3A_104] : memref<10000x128xf32, #tpu.memory_space<hbm>> -> memref<10000x128xf32, #tpu.memory_space<hbm>>
      tpu.wait_indirect_dma semaphore(%arg12 : memref<!tpu.dma_semaphore, #tpu.memory_space<semaphore_mem>>) src(%dma_wait3A_105 : memref<10000x128xf32, #tpu.memory_space<hbm>>) dst(%arg10 : memref<128x128xf32, #tpu.memory_space<vmem>>)
      %dma_start3A_106 = arith.constant 3 : i32
      %dma_start3A_107 = arith.constant 0 : i32
      %dma_start3A_108 = arith.constant 0 : i32
      %dma_start3A_109 = tpu.memref_slice %arg8[%dma_start3A_106, %dma_start3A_107, %dma_start3A_108] : memref<4x2x128xi32, #tpu.memory_space<vmem>> -> memref<1x1x128xi32, #tpu.memory_space<vmem>>
      %dma_start3A_110 = tpu.memref_squeeze %dma_start3A_109 : memref<1x1x128xi32, #tpu.memory_space<vmem>> -> memref<128xi32, #tpu.memory_space<vmem>>
      %dma_start3A_111 = arith.constant 0 : i32
      %dma_start3A_112 = arith.constant 0 : i32
      %dma_start3A_113 = tpu.memref_slice %arg2[%dma_start3A_111, %dma_start3A_112] : memref<10000x128xf32, #tpu.memory_space<hbm>> -> memref<10000x128xf32, #tpu.memory_space<hbm>>
      tpu.enqueue_indirect_dma source(%dma_start3A_113 : memref<10000x128xf32, #tpu.memory_space<hbm>>) target(%arg11 : memref<128x128xf32, #tpu.memory_space<vmem>>) offsets(%dma_start3A_110 : memref<128xi32, #tpu.memory_space<vmem>>) semaphore(%arg13 : memref<!tpu.dma_semaphore, #tpu.memory_space<semaphore_mem>>)
      %run_scoped3A_114 = arith.constant 2 : i32
      %run_scoped3A_115 = arith.constant 1 : i32
      "tpu.region"() ({
        %run_scoped3A_130 = tpu.sem_alloc : memref<!tpu.dma_semaphore, #tpu.memory_space<semaphore_mem>>
        %dma_start3A_131 = arith.constant 0 : i32
        %dma_start3A_132 = tpu.memref_slice %arg8[%run_scoped3A_114, %run_scoped3A_115, %dma_start3A_131] : memref<4x2x128xi32, #tpu.memory_space<vmem>> -> memref<1x1x128xi32, #tpu.memory_space<vmem>>
        %dma_start3A_133 = tpu.memref_squeeze %dma_start3A_132 : memref<1x1x128xi32, #tpu.memory_space<vmem>> -> memref<128xi32, #tpu.memory_space<vmem>>
        %dma_start3A_134 = arith.constant 0 : i32
        %dma_start3A_135 = arith.constant 0 : i32
        %dma_start3A_136 = tpu.memref_slice %arg6[%dma_start3A_134, %dma_start3A_135] : memref<10240x128xf32, #tpu.memory_space<vmem_shared>> -> memref<10240x128xf32, #tpu.memory_space<vmem_shared>>
        tpu.enqueue_indirect_dma source(%arg10 : memref<128x128xf32, #tpu.memory_space<vmem>>) target(%dma_start3A_136 : memref<10240x128xf32, #tpu.memory_space<vmem_shared>>) offsets(%dma_start3A_133 : memref<128xi32, #tpu.memory_space<vmem>>) semaphore(%run_scoped3A_130 : memref<!tpu.dma_semaphore, #tpu.memory_space<semaphore_mem>>) {add = true}
        %dma_wait3A_137 = arith.constant 0 : i32
        %dma_wait3A_138 = tpu.memref_slice %arg8[%run_scoped3A_114, %run_scoped3A_115, %dma_wait3A_137] : memref<4x2x128xi32, #tpu.memory_space<vmem>> -> memref<1x1x128xi32, #tpu.memory_space<vmem>>
        %dma_wait3A_139 = tpu.memref_squeeze %dma_wait3A_138 : memref<1x1x128xi32, #tpu.memory_space<vmem>> -> memref<128xi32, #tpu.memory_space<vmem>>
        %dma_wait3A_140 = arith.constant 0 : i32
        %dma_wait3A_141 = arith.constant 0 : i32
        %dma_wait3A_142 = tpu.memref_slice %arg6[%dma_wait3A_140, %dma_wait3A_141] : memref<10240x128xf32, #tpu.memory_space<vmem_shared>> -> memref<10240x128xf32, #tpu.memory_space<vmem_shared>>
        tpu.wait_indirect_dma semaphore(%run_scoped3A_130 : memref<!tpu.dma_semaphore, #tpu.memory_space<semaphore_mem>>) src(%arg10 : memref<128x128xf32, #tpu.memory_space<vmem>>) dst(%dma_wait3A_142 : memref<10240x128xf32, #tpu.memory_space<vmem_shared>>)
        tpu.yield
      }) : () -> ()
      %run_scoped3A_116 = arith.constant 2 : i32
      %run_scoped3A_117 = arith.constant 1 : i32
      "tpu.region"() ({
        %run_scoped3A_130 = tpu.sem_alloc : memref<!tpu.dma_semaphore, #tpu.memory_space<semaphore_mem>>
        %dma_start3A_131 = arith.constant 0 : i32
        %dma_start3A_132 = tpu.memref_slice %arg8[%run_scoped3A_116, %run_scoped3A_117, %dma_start3A_131] : memref<4x2x128xi32, #tpu.memory_space<vmem>> -> memref<1x1x128xi32, #tpu.memory_space<vmem>>
        %dma_start3A_133 = tpu.memref_squeeze %dma_start3A_132 : memref<1x1x128xi32, #tpu.memory_space<vmem>> -> memref<128xi32, #tpu.memory_space<vmem>>
        %dma_start3A_134 = arith.constant 0 : i32
        %dma_start3A_135 = arith.constant 0 : i32
        %dma_start3A_136 = tpu.memref_slice %arg7[%dma_start3A_134, %dma_start3A_135] : memref<10240x16xf32, #tpu.memory_space<vmem_shared>> -> memref<10240x16xf32, #tpu.memory_space<vmem_shared>>
        tpu.enqueue_indirect_dma source(%arg9 : memref<128x16xf32, #tpu.memory_space<vmem>>) target(%dma_start3A_136 : memref<10240x16xf32, #tpu.memory_space<vmem_shared>>) offsets(%dma_start3A_133 : memref<128xi32, #tpu.memory_space<vmem>>) semaphore(%run_scoped3A_130 : memref<!tpu.dma_semaphore, #tpu.memory_space<semaphore_mem>>) {add = true}
        %dma_wait3A_137 = arith.constant 0 : i32
        %dma_wait3A_138 = tpu.memref_slice %arg8[%run_scoped3A_116, %run_scoped3A_117, %dma_wait3A_137] : memref<4x2x128xi32, #tpu.memory_space<vmem>> -> memref<1x1x128xi32, #tpu.memory_space<vmem>>
        %dma_wait3A_139 = tpu.memref_squeeze %dma_wait3A_138 : memref<1x1x128xi32, #tpu.memory_space<vmem>> -> memref<128xi32, #tpu.memory_space<vmem>>
        %dma_wait3A_140 = arith.constant 0 : i32
        %dma_wait3A_141 = arith.constant 0 : i32
        %dma_wait3A_142 = tpu.memref_slice %arg7[%dma_wait3A_140, %dma_wait3A_141] : memref<10240x16xf32, #tpu.memory_space<vmem_shared>> -> memref<10240x16xf32, #tpu.memory_space<vmem_shared>>
        tpu.wait_indirect_dma semaphore(%run_scoped3A_130 : memref<!tpu.dma_semaphore, #tpu.memory_space<semaphore_mem>>) src(%arg9 : memref<128x16xf32, #tpu.memory_space<vmem>>) dst(%dma_wait3A_142 : memref<10240x16xf32, #tpu.memory_space<vmem_shared>>)
        tpu.yield
      }) : () -> ()
      %dma_wait3A_118 = arith.constant 3 : i32
      %dma_wait3A_119 = arith.constant 0 : i32
      %dma_wait3A_120 = arith.constant 0 : i32
      %dma_wait3A_121 = tpu.memref_slice %arg8[%dma_wait3A_118, %dma_wait3A_119, %dma_wait3A_120] : memref<4x2x128xi32, #tpu.memory_space<vmem>> -> memref<1x1x128xi32, #tpu.memory_space<vmem>>
      %dma_wait3A_122 = tpu.memref_squeeze %dma_wait3A_121 : memref<1x1x128xi32, #tpu.memory_space<vmem>> -> memref<128xi32, #tpu.memory_space<vmem>>
      %dma_wait3A_123 = arith.constant 0 : i32
      %dma_wait3A_124 = arith.constant 0 : i32
      %dma_wait3A_125 = tpu.memref_slice %arg2[%dma_wait3A_123, %dma_wait3A_124] : memref<10000x128xf32, #tpu.memory_space<hbm>> -> memref<10000x128xf32, #tpu.memory_space<hbm>>
      tpu.wait_indirect_dma semaphore(%arg13 : memref<!tpu.dma_semaphore, #tpu.memory_space<semaphore_mem>>) src(%dma_wait3A_125 : memref<10000x128xf32, #tpu.memory_space<hbm>>) dst(%arg11 : memref<128x128xf32, #tpu.memory_space<vmem>>)
      %run_scoped3A_126 = arith.constant 3 : i32
      %run_scoped3A_127 = arith.constant 1 : i32
      "tpu.region"() ({
        %run_scoped3A_130 = tpu.sem_alloc : memref<!tpu.dma_semaphore, #tpu.memory_space<semaphore_mem>>
        %dma_start3A_131 = arith.constant 0 : i32
        %dma_start3A_132 = tpu.memref_slice %arg8[%run_scoped3A_126, %run_scoped3A_127, %dma_start3A_131] : memref<4x2x128xi32, #tpu.memory_space<vmem>> -> memref<1x1x128xi32, #tpu.memory_space<vmem>>
        %dma_start3A_133 = tpu.memref_squeeze %dma_start3A_132 : memref<1x1x128xi32, #tpu.memory_space<vmem>> -> memref<128xi32, #tpu.memory_space<vmem>>
        %dma_start3A_134 = arith.constant 0 : i32
        %dma_start3A_135 = arith.constant 0 : i32
        %dma_start3A_136 = tpu.memref_slice %arg6[%dma_start3A_134, %dma_start3A_135] : memref<10240x128xf32, #tpu.memory_space<vmem_shared>> -> memref<10240x128xf32, #tpu.memory_space<vmem_shared>>
        tpu.enqueue_indirect_dma source(%arg11 : memref<128x128xf32, #tpu.memory_space<vmem>>) target(%dma_start3A_136 : memref<10240x128xf32, #tpu.memory_space<vmem_shared>>) offsets(%dma_start3A_133 : memref<128xi32, #tpu.memory_space<vmem>>) semaphore(%run_scoped3A_130 : memref<!tpu.dma_semaphore, #tpu.memory_space<semaphore_mem>>) {add = true}
        %dma_wait3A_137 = arith.constant 0 : i32
        %dma_wait3A_138 = tpu.memref_slice %arg8[%run_scoped3A_126, %run_scoped3A_127, %dma_wait3A_137] : memref<4x2x128xi32, #tpu.memory_space<vmem>> -> memref<1x1x128xi32, #tpu.memory_space<vmem>>
        %dma_wait3A_139 = tpu.memref_squeeze %dma_wait3A_138 : memref<1x1x128xi32, #tpu.memory_space<vmem>> -> memref<128xi32, #tpu.memory_space<vmem>>
        %dma_wait3A_140 = arith.constant 0 : i32
        %dma_wait3A_141 = arith.constant 0 : i32
        %dma_wait3A_142 = tpu.memref_slice %arg6[%dma_wait3A_140, %dma_wait3A_141] : memref<10240x128xf32, #tpu.memory_space<vmem_shared>> -> memref<10240x128xf32, #tpu.memory_space<vmem_shared>>
        tpu.wait_indirect_dma semaphore(%run_scoped3A_130 : memref<!tpu.dma_semaphore, #tpu.memory_space<semaphore_mem>>) src(%arg11 : memref<128x128xf32, #tpu.memory_space<vmem>>) dst(%dma_wait3A_142 : memref<10240x128xf32, #tpu.memory_space<vmem_shared>>)
        tpu.yield
      }) : () -> ()
      %run_scoped3A_128 = arith.constant 3 : i32
      %run_scoped3A_129 = arith.constant 1 : i32
      "tpu.region"() ({
        %run_scoped3A_130 = tpu.sem_alloc : memref<!tpu.dma_semaphore, #tpu.memory_space<semaphore_mem>>
        %dma_start3A_131 = arith.constant 0 : i32
        %dma_start3A_132 = tpu.memref_slice %arg8[%run_scoped3A_128, %run_scoped3A_129, %dma_start3A_131] : memref<4x2x128xi32, #tpu.memory_space<vmem>> -> memref<1x1x128xi32, #tpu.memory_space<vmem>>
        %dma_start3A_133 = tpu.memref_squeeze %dma_start3A_132 : memref<1x1x128xi32, #tpu.memory_space<vmem>> -> memref<128xi32, #tpu.memory_space<vmem>>
        %dma_start3A_134 = arith.constant 0 : i32
        %dma_start3A_135 = arith.constant 0 : i32
        %dma_start3A_136 = tpu.memref_slice %arg7[%dma_start3A_134, %dma_start3A_135] : memref<10240x16xf32, #tpu.memory_space<vmem_shared>> -> memref<10240x16xf32, #tpu.memory_space<vmem_shared>>
        tpu.enqueue_indirect_dma source(%arg9 : memref<128x16xf32, #tpu.memory_space<vmem>>) target(%dma_start3A_136 : memref<10240x16xf32, #tpu.memory_space<vmem_shared>>) offsets(%dma_start3A_133 : memref<128xi32, #tpu.memory_space<vmem>>) semaphore(%run_scoped3A_130 : memref<!tpu.dma_semaphore, #tpu.memory_space<semaphore_mem>>) {add = true}
        %dma_wait3A_137 = arith.constant 0 : i32
        %dma_wait3A_138 = tpu.memref_slice %arg8[%run_scoped3A_128, %run_scoped3A_129, %dma_wait3A_137] : memref<4x2x128xi32, #tpu.memory_space<vmem>> -> memref<1x1x128xi32, #tpu.memory_space<vmem>>
        %dma_wait3A_139 = tpu.memref_squeeze %dma_wait3A_138 : memref<1x1x128xi32, #tpu.memory_space<vmem>> -> memref<128xi32, #tpu.memory_space<vmem>>
        %dma_wait3A_140 = arith.constant 0 : i32
        %dma_wait3A_141 = arith.constant 0 : i32
        %dma_wait3A_142 = tpu.memref_slice %arg7[%dma_wait3A_140, %dma_wait3A_141] : memref<10240x16xf32, #tpu.memory_space<vmem_shared>> -> memref<10240x16xf32, #tpu.memory_space<vmem_shared>>
        tpu.wait_indirect_dma semaphore(%run_scoped3A_130 : memref<!tpu.dma_semaphore, #tpu.memory_space<semaphore_mem>>) src(%arg9 : memref<128x16xf32, #tpu.memory_space<vmem>>) dst(%dma_wait3A_142 : memref<10240x16xf32, #tpu.memory_space<vmem_shared>>)
        tpu.yield
      }) : () -> ()
    }
    %while3A_48 = arith.constant 1 : i32
    scf.for %while3A_50 = %while3A_46 to %while3A_42 step %while3A_48  : i32 {
      %mul3A_51 = arith.constant 4 : i32
      %mul3A_52 = arith.muli %while3A_50, %mul3A_51 : i32
      "tpu.region"() ({
        %run_scoped3A_130 = tpu.sem_alloc : memref<!tpu.dma_semaphore, #tpu.memory_space<semaphore_mem>>
        %dma_start3A_131 = arith.constant 0 : i32
        %dma_start3A_132 = arith.constant 0 : i32
        %dma_start3A_133 = tpu.memref_slice %arg3[%add3A, %mul3A_52, %dma_start3A_131, %dma_start3A_132] : memref<32x144x2x128xi32, #tpu.memory_space<hbm>> -> memref<1x4x2x128xi32, #tpu.memory_space<hbm>>
        %dma_start3A_134 = tpu.memref_squeeze %dma_start3A_133 : memref<1x4x2x128xi32, #tpu.memory_space<hbm>> -> memref<4x2x128xi32, #tpu.memory_space<hbm>>
        %dma_start3A_135 = arith.constant 0 : i32
        %dma_start3A_136 = arith.constant 0 : i32
        %dma_start3A_137 = tpu.memref_slice %arg3[%add3A, %mul3A_52, %dma_start3A_135, %dma_start3A_136] : memref<32x144x2x128xi32, #tpu.memory_space<hbm>> -> memref<1x4x2x128xi32, #tpu.memory_space<hbm>>
        %dma_start3A_138 = tpu.memref_squeeze %dma_start3A_137 : memref<1x4x2x128xi32, #tpu.memory_space<hbm>> -> memref<4x2x128xi32, #tpu.memory_space<hbm>>
        tpu.enqueue_dma source(%dma_start3A_138 : memref<4x2x128xi32, #tpu.memory_space<hbm>>) target(%arg8 : memref<4x2x128xi32, #tpu.memory_space<vmem>>) target_semaphore(%run_scoped3A_130 : memref<!tpu.dma_semaphore, #tpu.memory_space<semaphore_mem>>)
        %dma_wait3A_139 = arith.constant 0 : i32
        %dma_wait3A_140 = arith.constant 0 : i32
        %dma_wait3A_141 = tpu.memref_slice %arg3[%add3A, %mul3A_52, %dma_wait3A_139, %dma_wait3A_140] : memref<32x144x2x128xi32, #tpu.memory_space<hbm>> -> memref<1x4x2x128xi32, #tpu.memory_space<hbm>>
        %dma_wait3A_142 = tpu.memref_squeeze %dma_wait3A_141 : memref<1x4x2x128xi32, #tpu.memory_space<hbm>> -> memref<4x2x128xi32, #tpu.memory_space<hbm>>
        %dma_wait3A_143 = arith.constant 0 : i32
        %dma_wait3A_144 = arith.constant 0 : i32
        %dma_wait3A_145 = tpu.memref_slice %arg3[%add3A, %mul3A_52, %dma_wait3A_143, %dma_wait3A_144] : memref<32x144x2x128xi32, #tpu.memory_space<hbm>> -> memref<1x4x2x128xi32, #tpu.memory_space<hbm>>
        %dma_wait3A_146 = tpu.memref_squeeze %dma_wait3A_145 : memref<1x4x2x128xi32, #tpu.memory_space<hbm>> -> memref<4x2x128xi32, #tpu.memory_space<hbm>>
        tpu.wait_dma2 semaphore(%run_scoped3A_130 : memref<!tpu.dma_semaphore, #tpu.memory_space<semaphore_mem>>) src(%dma_wait3A_146 : memref<4x2x128xi32, #tpu.memory_space<hbm>>) dst(%arg8 : memref<4x2x128xi32, #tpu.memory_space<vmem>>)
        tpu.yield
      }) : () -> ()
      %dma_start3A = arith.constant 0 : i32
      %dma_start3A_53 = arith.constant 0 : i32
      %dma_start3A_54 = arith.constant 0 : i32
      %dma_start3A_55 = tpu.memref_slice %arg8[%dma_start3A, %dma_start3A_53, %dma_start3A_54] : memref<4x2x128xi32, #tpu.memory_space<vmem>> -> memref<1x1x128xi32, #tpu.memory_space<vmem>>
      %dma_start3A_56 = tpu.memref_squeeze %dma_start3A_55 : memref<1x1x128xi32, #tpu.memory_space<vmem>> -> memref<128xi32, #tpu.memory_space<vmem>>
      %dma_start3A_57 = arith.constant 0 : i32
      %dma_start3A_58 = arith.constant 0 : i32
      %dma_start3A_59 = tpu.memref_slice %arg2[%dma_start3A_57, %dma_start3A_58] : memref<10000x128xf32, #tpu.memory_space<hbm>> -> memref<10000x128xf32, #tpu.memory_space<hbm>>
      tpu.enqueue_indirect_dma source(%dma_start3A_59 : memref<10000x128xf32, #tpu.memory_space<hbm>>) target(%arg10 : memref<128x128xf32, #tpu.memory_space<vmem>>) offsets(%dma_start3A_56 : memref<128xi32, #tpu.memory_space<vmem>>) semaphore(%arg12 : memref<!tpu.dma_semaphore, #tpu.memory_space<semaphore_mem>>)
      %dma_wait3A = arith.constant 0 : i32
      %dma_wait3A_60 = arith.constant 0 : i32
      %dma_wait3A_61 = arith.constant 0 : i32
      %dma_wait3A_62 = tpu.memref_slice %arg8[%dma_wait3A, %dma_wait3A_60, %dma_wait3A_61] : memref<4x2x128xi32, #tpu.memory_space<vmem>> -> memref<1x1x128xi32, #tpu.memory_space<vmem>>
      %dma_wait3A_63 = tpu.memref_squeeze %dma_wait3A_62 : memref<1x1x128xi32, #tpu.memory_space<vmem>> -> memref<128xi32, #tpu.memory_space<vmem>>
      %dma_wait3A_64 = arith.constant 0 : i32
      %dma_wait3A_65 = arith.constant 0 : i32
      %dma_wait3A_66 = tpu.memref_slice %arg2[%dma_wait3A_64, %dma_wait3A_65] : memref<10000x128xf32, #tpu.memory_space<hbm>> -> memref<10000x128xf32, #tpu.memory_space<hbm>>
      tpu.wait_indirect_dma semaphore(%arg12 : memref<!tpu.dma_semaphore, #tpu.memory_space<semaphore_mem>>) src(%dma_wait3A_66 : memref<10000x128xf32, #tpu.memory_space<hbm>>) dst(%arg10 : memref<128x128xf32, #tpu.memory_space<vmem>>)
      %dma_start3A_67 = arith.constant 1 : i32
      %dma_start3A_68 = arith.constant 0 : i32
      %dma_start3A_69 = arith.constant 0 : i32
      %dma_start3A_70 = tpu.memref_slice %arg8[%dma_start3A_67, %dma_start3A_68, %dma_start3A_69] : memref<4x2x128xi32, #tpu.memory_space<vmem>> -> memref<1x1x128xi32, #tpu.memory_space<vmem>>
      %dma_start3A_71 = tpu.memref_squeeze %dma_start3A_70 : memref<1x1x128xi32, #tpu.memory_space<vmem>> -> memref<128xi32, #tpu.memory_space<vmem>>
      %dma_start3A_72 = arith.constant 0 : i32
      %dma_start3A_73 = arith.constant 0 : i32
      %dma_start3A_74 = tpu.memref_slice %arg2[%dma_start3A_72, %dma_start3A_73] : memref<10000x128xf32, #tpu.memory_space<hbm>> -> memref<10000x128xf32, #tpu.memory_space<hbm>>
      tpu.enqueue_indirect_dma source(%dma_start3A_74 : memref<10000x128xf32, #tpu.memory_space<hbm>>) target(%arg11 : memref<128x128xf32, #tpu.memory_space<vmem>>) offsets(%dma_start3A_71 : memref<128xi32, #tpu.memory_space<vmem>>) semaphore(%arg13 : memref<!tpu.dma_semaphore, #tpu.memory_space<semaphore_mem>>)
      %run_scoped3A = arith.constant 0 : i32
      %run_scoped3A_75 = arith.constant 1 : i32
      "tpu.region"() ({
        %run_scoped3A_130 = tpu.sem_alloc : memref<!tpu.dma_semaphore, #tpu.memory_space<semaphore_mem>>
        %dma_start3A_131 = arith.constant 0 : i32
        %dma_start3A_132 = tpu.memref_slice %arg8[%run_scoped3A, %run_scoped3A_75, %dma_start3A_131] : memref<4x2x128xi32, #tpu.memory_space<vmem>> -> memref<1x1x128xi32, #tpu.memory_space<vmem>>
        %dma_start3A_133 = tpu.memref_squeeze %dma_start3A_132 : memref<1x1x128xi32, #tpu.memory_space<vmem>> -> memref<128xi32, #tpu.memory_space<vmem>>
        %dma_start3A_134 = arith.constant 0 : i32
        %dma_start3A_135 = arith.constant 0 : i32
        %dma_start3A_136 = tpu.memref_slice %arg6[%dma_start3A_134, %dma_start3A_135] : memref<10240x128xf32, #tpu.memory_space<vmem_shared>> -> memref<10240x128xf32, #tpu.memory_space<vmem_shared>>
        tpu.enqueue_indirect_dma source(%arg10 : memref<128x128xf32, #tpu.memory_space<vmem>>) target(%dma_start3A_136 : memref<10240x128xf32, #tpu.memory_space<vmem_shared>>) offsets(%dma_start3A_133 : memref<128xi32, #tpu.memory_space<vmem>>) semaphore(%run_scoped3A_130 : memref<!tpu.dma_semaphore, #tpu.memory_space<semaphore_mem>>) {add = true}
        %dma_wait3A_137 = arith.constant 0 : i32
        %dma_wait3A_138 = tpu.memref_slice %arg8[%run_scoped3A, %run_scoped3A_75, %dma_wait3A_137] : memref<4x2x128xi32, #tpu.memory_space<vmem>> -> memref<1x1x128xi32, #tpu.memory_space<vmem>>
        %dma_wait3A_139 = tpu.memref_squeeze %dma_wait3A_138 : memref<1x1x128xi32, #tpu.memory_space<vmem>> -> memref<128xi32, #tpu.memory_space<vmem>>
        %dma_wait3A_140 = arith.constant 0 : i32
        %dma_wait3A_141 = arith.constant 0 : i32
        %dma_wait3A_142 = tpu.memref_slice %arg6[%dma_wait3A_140, %dma_wait3A_141] : memref<10240x128xf32, #tpu.memory_space<vmem_shared>> -> memref<10240x128xf32, #tpu.memory_space<vmem_shared>>
        tpu.wait_indirect_dma semaphore(%run_scoped3A_130 : memref<!tpu.dma_semaphore, #tpu.memory_space<semaphore_mem>>) src(%arg10 : memref<128x128xf32, #tpu.memory_space<vmem>>) dst(%dma_wait3A_142 : memref<10240x128xf32, #tpu.memory_space<vmem_shared>>)
        tpu.yield
      }) : () -> ()
      %run_scoped3A_76 = arith.constant 0 : i32
      %run_scoped3A_77 = arith.constant 1 : i32
      "tpu.region"() ({
        %run_scoped3A_130 = tpu.sem_alloc : memref<!tpu.dma_semaphore, #tpu.memory_space<semaphore_mem>>
        %dma_start3A_131 = arith.constant 0 : i32
        %dma_start3A_132 = tpu.memref_slice %arg8[%run_scoped3A_76, %run_scoped3A_77, %dma_start3A_131] : memref<4x2x128xi32, #tpu.memory_space<vmem>> -> memref<1x1x128xi32, #tpu.memory_space<vmem>>
        %dma_start3A_133 = tpu.memref_squeeze %dma_start3A_132 : memref<1x1x128xi32, #tpu.memory_space<vmem>> -> memref<128xi32, #tpu.memory_space<vmem>>
        %dma_start3A_134 = arith.constant 0 : i32
        %dma_start3A_135 = arith.constant 0 : i32
        %dma_start3A_136 = tpu.memref_slice %arg7[%dma_start3A_134, %dma_start3A_135] : memref<10240x16xf32, #tpu.memory_space<vmem_shared>> -> memref<10240x16xf32, #tpu.memory_space<vmem_shared>>
        tpu.enqueue_indirect_dma source(%arg9 : memref<128x16xf32, #tpu.memory_space<vmem>>) target(%dma_start3A_136 : memref<10240x16xf32, #tpu.memory_space<vmem_shared>>) offsets(%dma_start3A_133 : memref<128xi32, #tpu.memory_space<vmem>>) semaphore(%run_scoped3A_130 : memref<!tpu.dma_semaphore, #tpu.memory_space<semaphore_mem>>) {add = true}
        %dma_wait3A_137 = arith.constant 0 : i32
        %dma_wait3A_138 = tpu.memref_slice %arg8[%run_scoped3A_76, %run_scoped3A_77, %dma_wait3A_137] : memref<4x2x128xi32, #tpu.memory_space<vmem>> -> memref<1x1x128xi32, #tpu.memory_space<vmem>>
        %dma_wait3A_139 = tpu.memref_squeeze %dma_wait3A_138 : memref<1x1x128xi32, #tpu.memory_space<vmem>> -> memref<128xi32, #tpu.memory_space<vmem>>
        %dma_wait3A_140 = arith.constant 0 : i32
        %dma_wait3A_141 = arith.constant 0 : i32
        %dma_wait3A_142 = tpu.memref_slice %arg7[%dma_wait3A_140, %dma_wait3A_141] : memref<10240x16xf32, #tpu.memory_space<vmem_shared>> -> memref<10240x16xf32, #tpu.memory_space<vmem_shared>>
        tpu.wait_indirect_dma semaphore(%run_scoped3A_130 : memref<!tpu.dma_semaphore, #tpu.memory_space<semaphore_mem>>) src(%arg9 : memref<128x16xf32, #tpu.memory_space<vmem>>) dst(%dma_wait3A_142 : memref<10240x16xf32, #tpu.memory_space<vmem_shared>>)
        tpu.yield
      }) : () -> ()
      %dma_wait3A_78 = arith.constant 1 : i32
      %dma_wait3A_79 = arith.constant 0 : i32
      %dma_wait3A_80 = arith.constant 0 : i32
      %dma_wait3A_81 = tpu.memref_slice %arg8[%dma_wait3A_78, %dma_wait3A_79, %dma_wait3A_80] : memref<4x2x128xi32, #tpu.memory_space<vmem>> -> memref<1x1x128xi32, #tpu.memory_space<vmem>>
      %dma_wait3A_82 = tpu.memref_squeeze %dma_wait3A_81 : memref<1x1x128xi32, #tpu.memory_space<vmem>> -> memref<128xi32, #tpu.memory_space<vmem>>
      %dma_wait3A_83 = arith.constant 0 : i32
      %dma_wait3A_84 = arith.constant 0 : i32
      %dma_wait3A_85 = tpu.memref_slice %arg2[%dma_wait3A_83, %dma_wait3A_84] : memref<10000x128xf32, #tpu.memory_space<hbm>> -> memref<10000x128xf32, #tpu.memory_space<hbm>>
      tpu.wait_indirect_dma semaphore(%arg13 : memref<!tpu.dma_semaphore, #tpu.memory_space<semaphore_mem>>) src(%dma_wait3A_85 : memref<10000x128xf32, #tpu.memory_space<hbm>>) dst(%arg11 : memref<128x128xf32, #tpu.memory_space<vmem>>)
      %dma_start3A_86 = arith.constant 2 : i32
      %dma_start3A_87 = arith.constant 0 : i32
      %dma_start3A_88 = arith.constant 0 : i32
      %dma_start3A_89 = tpu.memref_slice %arg8[%dma_start3A_86, %dma_start3A_87, %dma_start3A_88] : memref<4x2x128xi32, #tpu.memory_space<vmem>> -> memref<1x1x128xi32, #tpu.memory_space<vmem>>
      %dma_start3A_90 = tpu.memref_squeeze %dma_start3A_89 : memref<1x1x128xi32, #tpu.memory_space<vmem>> -> memref<128xi32, #tpu.memory_space<vmem>>
      %dma_start3A_91 = arith.constant 0 : i32
      %dma_start3A_92 = arith.constant 0 : i32
      %dma_start3A_93 = tpu.memref_slice %arg2[%dma_start3A_91, %dma_start3A_92] : memref<10000x128xf32, #tpu.memory_space<hbm>> -> memref<10000x128xf32, #tpu.memory_space<hbm>>
      tpu.enqueue_indirect_dma source(%dma_start3A_93 : memref<10000x128xf32, #tpu.memory_space<hbm>>) target(%arg10 : memref<128x128xf32, #tpu.memory_space<vmem>>) offsets(%dma_start3A_90 : memref<128xi32, #tpu.memory_space<vmem>>) semaphore(%arg12 : memref<!tpu.dma_semaphore, #tpu.memory_space<semaphore_mem>>)
      %run_scoped3A_94 = arith.constant 1 : i32
      %run_scoped3A_95 = arith.constant 1 : i32
      "tpu.region"() ({
        %run_scoped3A_130 = tpu.sem_alloc : memref<!tpu.dma_semaphore, #tpu.memory_space<semaphore_mem>>
        %dma_start3A_131 = arith.constant 0 : i32
        %dma_start3A_132 = tpu.memref_slice %arg8[%run_scoped3A_94, %run_scoped3A_95, %dma_start3A_131] : memref<4x2x128xi32, #tpu.memory_space<vmem>> -> memref<1x1x128xi32, #tpu.memory_space<vmem>>
        %dma_start3A_133 = tpu.memref_squeeze %dma_start3A_132 : memref<1x1x128xi32, #tpu.memory_space<vmem>> -> memref<128xi32, #tpu.memory_space<vmem>>
        %dma_start3A_134 = arith.constant 0 : i32
        %dma_start3A_135 = arith.constant 0 : i32
        %dma_start3A_136 = tpu.memref_slice %arg6[%dma_start3A_134, %dma_start3A_135] : memref<10240x128xf32, #tpu.memory_space<vmem_shared>> -> memref<10240x128xf32, #tpu.memory_space<vmem_shared>>
        tpu.enqueue_indirect_dma source(%arg11 : memref<128x128xf32, #tpu.memory_space<vmem>>) target(%dma_start3A_136 : memref<10240x128xf32, #tpu.memory_space<vmem_shared>>) offsets(%dma_start3A_133 : memref<128xi32, #tpu.memory_space<vmem>>) semaphore(%run_scoped3A_130 : memref<!tpu.dma_semaphore, #tpu.memory_space<semaphore_mem>>) {add = true}
        %dma_wait3A_137 = arith.constant 0 : i32
        %dma_wait3A_138 = tpu.memref_slice %arg8[%run_scoped3A_94, %run_scoped3A_95, %dma_wait3A_137] : memref<4x2x128xi32, #tpu.memory_space<vmem>> -> memref<1x1x128xi32, #tpu.memory_space<vmem>>
        %dma_wait3A_139 = tpu.memref_squeeze %dma_wait3A_138 : memref<1x1x128xi32, #tpu.memory_space<vmem>> -> memref<128xi32, #tpu.memory_space<vmem>>
        %dma_wait3A_140 = arith.constant 0 : i32
        %dma_wait3A_141 = arith.constant 0 : i32
        %dma_wait3A_142 = tpu.memref_slice %arg6[%dma_wait3A_140, %dma_wait3A_141] : memref<10240x128xf32, #tpu.memory_space<vmem_shared>> -> memref<10240x128xf32, #tpu.memory_space<vmem_shared>>
        tpu.wait_indirect_dma semaphore(%run_scoped3A_130 : memref<!tpu.dma_semaphore, #tpu.memory_space<semaphore_mem>>) src(%arg11 : memref<128x128xf32, #tpu.memory_space<vmem>>) dst(%dma_wait3A_142 : memref<10240x128xf32, #tpu.memory_space<vmem_shared>>)
        tpu.yield
      }) : () -> ()
      %run_scoped3A_96 = arith.constant 1 : i32
      %run_scoped3A_97 = arith.constant 1 : i32
      "tpu.region"() ({
        %run_scoped3A_130 = tpu.sem_alloc : memref<!tpu.dma_semaphore, #tpu.memory_space<semaphore_mem>>
        %dma_start3A_131 = arith.constant 0 : i32
        %dma_start3A_132 = tpu.memref_slice %arg8[%run_scoped3A_96, %run_scoped3A_97, %dma_start3A_131] : memref<4x2x128xi32, #tpu.memory_space<vmem>> -> memref<1x1x128xi32, #tpu.memory_space<vmem>>
        %dma_start3A_133 = tpu.memref_squeeze %dma_start3A_132 : memref<1x1x128xi32, #tpu.memory_space<vmem>> -> memref<128xi32, #tpu.memory_space<vmem>>
        %dma_start3A_134 = arith.constant 0 : i32
        %dma_start3A_135 = arith.constant 0 : i32
        %dma_start3A_136 = tpu.memref_slice %arg7[%dma_start3A_134, %dma_start3A_135] : memref<10240x16xf32, #tpu.memory_space<vmem_shared>> -> memref<10240x16xf32, #tpu.memory_space<vmem_shared>>
        tpu.enqueue_indirect_dma source(%arg9 : memref<128x16xf32, #tpu.memory_space<vmem>>) target(%dma_start3A_136 : memref<10240x16xf32, #tpu.memory_space<vmem_shared>>) offsets(%dma_start3A_133 : memref<128xi32, #tpu.memory_space<vmem>>) semaphore(%run_scoped3A_130 : memref<!tpu.dma_semaphore, #tpu.memory_space<semaphore_mem>>) {add = true}
        %dma_wait3A_137 = arith.constant 0 : i32
        %dma_wait3A_138 = tpu.memref_slice %arg8[%run_scoped3A_96, %run_scoped3A_97, %dma_wait3A_137] : memref<4x2x128xi32, #tpu.memory_space<vmem>> -> memref<1x1x128xi32, #tpu.memory_space<vmem>>
        %dma_wait3A_139 = tpu.memref_squeeze %dma_wait3A_138 : memref<1x1x128xi32, #tpu.memory_space<vmem>> -> memref<128xi32, #tpu.memory_space<vmem>>
        %dma_wait3A_140 = arith.constant 0 : i32
        %dma_wait3A_141 = arith.constant 0 : i32
        %dma_wait3A_142 = tpu.memref_slice %arg7[%dma_wait3A_140, %dma_wait3A_141] : memref<10240x16xf32, #tpu.memory_space<vmem_shared>> -> memref<10240x16xf32, #tpu.memory_space<vmem_shared>>
        tpu.wait_indirect_dma semaphore(%run_scoped3A_130 : memref<!tpu.dma_semaphore, #tpu.memory_space<semaphore_mem>>) src(%arg9 : memref<128x16xf32, #tpu.memory_space<vmem>>) dst(%dma_wait3A_142 : memref<10240x16xf32, #tpu.memory_space<vmem_shared>>)
        tpu.yield
      }) : () -> ()
      %dma_wait3A_98 = arith.constant 2 : i32
      %dma_wait3A_99 = arith.constant 0 : i32
      %dma_wait3A_100 = arith.constant 0 : i32
      %dma_wait3A_101 = tpu.memref_slice %arg8[%dma_wait3A_98, %dma_wait3A_99, %dma_wait3A_100] : memref<4x2x128xi32, #tpu.memory_space<vmem>> -> memref<1x1x128xi32, #tpu.memory_space<vmem>>
      %dma_wait3A_102 = tpu.memref_squeeze %dma_wait3A_101 : memref<1x1x128xi32, #tpu.memory_space<vmem>> -> memref<128xi32, #tpu.memory_space<vmem>>
      %dma_wait3A_103 = arith.constant 0 : i32
      %dma_wait3A_104 = arith.constant 0 : i32
      %dma_wait3A_105 = tpu.memref_slice %arg2[%dma_wait3A_103, %dma_wait3A_104] : memref<10000x128xf32, #tpu.memory_space<hbm>> -> memref<10000x128xf32, #tpu.memory_space<hbm>>
      tpu.wait_indirect_dma semaphore(%arg12 : memref<!tpu.dma_semaphore, #tpu.memory_space<semaphore_mem>>) src(%dma_wait3A_105 : memref<10000x128xf32, #tpu.memory_space<hbm>>) dst(%arg10 : memref<128x128xf32, #tpu.memory_space<vmem>>)
      %dma_start3A_106 = arith.constant 3 : i32
      %dma_start3A_107 = arith.constant 0 : i32
      %dma_start3A_108 = arith.constant 0 : i32
      %dma_start3A_109 = tpu.memref_slice %arg8[%dma_start3A_106, %dma_start3A_107, %dma_start3A_108] : memref<4x2x128xi32, #tpu.memory_space<vmem>> -> memref<1x1x128xi32, #tpu.memory_space<vmem>>
      %dma_start3A_110 = tpu.memref_squeeze %dma_start3A_109 : memref<1x1x128xi32, #tpu.memory_space<vmem>> -> memref<128xi32, #tpu.memory_space<vmem>>
      %dma_start3A_111 = arith.constant 0 : i32
      %dma_start3A_112 = arith.constant 0 : i32
      %dma_start3A_113 = tpu.memref_slice %arg2[%dma_start3A_111, %dma_start3A_112] : memref<10000x128xf32, #tpu.memory_space<hbm>> -> memref<10000x128xf32, #tpu.memory_space<hbm>>
      tpu.enqueue_indirect_dma source(%dma_start3A_113 : memref<10000x128xf32, #tpu.memory_space<hbm>>) target(%arg11 : memref<128x128xf32, #tpu.memory_space<vmem>>) offsets(%dma_start3A_110 : memref<128xi32, #tpu.memory_space<vmem>>) semaphore(%arg13 : memref<!tpu.dma_semaphore, #tpu.memory_space<semaphore_mem>>)
      %run_scoped3A_114 = arith.constant 2 : i32
      %run_scoped3A_115 = arith.constant 1 : i32
      "tpu.region"() ({
        %run_scoped3A_130 = tpu.sem_alloc : memref<!tpu.dma_semaphore, #tpu.memory_space<semaphore_mem>>
        %dma_start3A_131 = arith.constant 0 : i32
        %dma_start3A_132 = tpu.memref_slice %arg8[%run_scoped3A_114, %run_scoped3A_115, %dma_start3A_131] : memref<4x2x128xi32, #tpu.memory_space<vmem>> -> memref<1x1x128xi32, #tpu.memory_space<vmem>>
        %dma_start3A_133 = tpu.memref_squeeze %dma_start3A_132 : memref<1x1x128xi32, #tpu.memory_space<vmem>> -> memref<128xi32, #tpu.memory_space<vmem>>
        %dma_start3A_134 = arith.constant 0 : i32
        %dma_start3A_135 = arith.constant 0 : i32
        %dma_start3A_136 = tpu.memref_slice %arg6[%dma_start3A_134, %dma_start3A_135] : memref<10240x128xf32, #tpu.memory_space<vmem_shared>> -> memref<10240x128xf32, #tpu.memory_space<vmem_shared>>
        tpu.enqueue_indirect_dma source(%arg10 : memref<128x128xf32, #tpu.memory_space<vmem>>) target(%dma_start3A_136 : memref<10240x128xf32, #tpu.memory_space<vmem_shared>>) offsets(%dma_start3A_133 : memref<128xi32, #tpu.memory_space<vmem>>) semaphore(%run_scoped3A_130 : memref<!tpu.dma_semaphore, #tpu.memory_space<semaphore_mem>>) {add = true}
        %dma_wait3A_137 = arith.constant 0 : i32
        %dma_wait3A_138 = tpu.memref_slice %arg8[%run_scoped3A_114, %run_scoped3A_115, %dma_wait3A_137] : memref<4x2x128xi32, #tpu.memory_space<vmem>> -> memref<1x1x128xi32, #tpu.memory_space<vmem>>
        %dma_wait3A_139 = tpu.memref_squeeze %dma_wait3A_138 : memref<1x1x128xi32, #tpu.memory_space<vmem>> -> memref<128xi32, #tpu.memory_space<vmem>>
        %dma_wait3A_140 = arith.constant 0 : i32
        %dma_wait3A_141 = arith.constant 0 : i32
        %dma_wait3A_142 = tpu.memref_slice %arg6[%dma_wait3A_140, %dma_wait3A_141] : memref<10240x128xf32, #tpu.memory_space<vmem_shared>> -> memref<10240x128xf32, #tpu.memory_space<vmem_shared>>
        tpu.wait_indirect_dma semaphore(%run_scoped3A_130 : memref<!tpu.dma_semaphore, #tpu.memory_space<semaphore_mem>>) src(%arg10 : memref<128x128xf32, #tpu.memory_space<vmem>>) dst(%dma_wait3A_142 : memref<10240x128xf32, #tpu.memory_space<vmem_shared>>)
        tpu.yield
      }) : () -> ()
      %run_scoped3A_116 = arith.constant 2 : i32
      %run_scoped3A_117 = arith.constant 1 : i32
      "tpu.region"() ({
        %run_scoped3A_130 = tpu.sem_alloc : memref<!tpu.dma_semaphore, #tpu.memory_space<semaphore_mem>>
        %dma_start3A_131 = arith.constant 0 : i32
        %dma_start3A_132 = tpu.memref_slice %arg8[%run_scoped3A_116, %run_scoped3A_117, %dma_start3A_131] : memref<4x2x128xi32, #tpu.memory_space<vmem>> -> memref<1x1x128xi32, #tpu.memory_space<vmem>>
        %dma_start3A_133 = tpu.memref_squeeze %dma_start3A_132 : memref<1x1x128xi32, #tpu.memory_space<vmem>> -> memref<128xi32, #tpu.memory_space<vmem>>
        %dma_start3A_134 = arith.constant 0 : i32
        %dma_start3A_135 = arith.constant 0 : i32
        %dma_start3A_136 = tpu.memref_slice %arg7[%dma_start3A_134, %dma_start3A_135] : memref<10240x16xf32, #tpu.memory_space<vmem_shared>> -> memref<10240x16xf32, #tpu.memory_space<vmem_shared>>
        tpu.enqueue_indirect_dma source(%arg9 : memref<128x16xf32, #tpu.memory_space<vmem>>) target(%dma_start3A_136 : memref<10240x16xf32, #tpu.memory_space<vmem_shared>>) offsets(%dma_start3A_133 : memref<128xi32, #tpu.memory_space<vmem>>) semaphore(%run_scoped3A_130 : memref<!tpu.dma_semaphore, #tpu.memory_space<semaphore_mem>>) {add = true}
        %dma_wait3A_137 = arith.constant 0 : i32
        %dma_wait3A_138 = tpu.memref_slice %arg8[%run_scoped3A_116, %run_scoped3A_117, %dma_wait3A_137] : memref<4x2x128xi32, #tpu.memory_space<vmem>> -> memref<1x1x128xi32, #tpu.memory_space<vmem>>
        %dma_wait3A_139 = tpu.memref_squeeze %dma_wait3A_138 : memref<1x1x128xi32, #tpu.memory_space<vmem>> -> memref<128xi32, #tpu.memory_space<vmem>>
        %dma_wait3A_140 = arith.constant 0 : i32
        %dma_wait3A_141 = arith.constant 0 : i32
        %dma_wait3A_142 = tpu.memref_slice %arg7[%dma_wait3A_140, %dma_wait3A_141] : memref<10240x16xf32, #tpu.memory_space<vmem_shared>> -> memref<10240x16xf32, #tpu.memory_space<vmem_shared>>
        tpu.wait_indirect_dma semaphore(%run_scoped3A_130 : memref<!tpu.dma_semaphore, #tpu.memory_space<semaphore_mem>>) src(%arg9 : memref<128x16xf32, #tpu.memory_space<vmem>>) dst(%dma_wait3A_142 : memref<10240x16xf32, #tpu.memory_space<vmem_shared>>)
        tpu.yield
      }) : () -> ()
      %dma_wait3A_118 = arith.constant 3 : i32
      %dma_wait3A_119 = arith.constant 0 : i32
      %dma_wait3A_120 = arith.constant 0 : i32
      %dma_wait3A_121 = tpu.memref_slice %arg8[%dma_wait3A_118, %dma_wait3A_119, %dma_wait3A_120] : memref<4x2x128xi32, #tpu.memory_space<vmem>> -> memref<1x1x128xi32, #tpu.memory_space<vmem>>
      %dma_wait3A_122 = tpu.memref_squeeze %dma_wait3A_121 : memref<1x1x128xi32, #tpu.memory_space<vmem>> -> memref<128xi32, #tpu.memory_space<vmem>>
      %dma_wait3A_123 = arith.constant 0 : i32
      %dma_wait3A_124 = arith.constant 0 : i32
      %dma_wait3A_125 = tpu.memref_slice %arg2[%dma_wait3A_123, %dma_wait3A_124] : memref<10000x128xf32, #tpu.memory_space<hbm>> -> memref<10000x128xf32, #tpu.memory_space<hbm>>
      tpu.wait_indirect_dma semaphore(%arg13 : memref<!tpu.dma_semaphore, #tpu.memory_space<semaphore_mem>>) src(%dma_wait3A_125 : memref<10000x128xf32, #tpu.memory_space<hbm>>) dst(%arg11 : memref<128x128xf32, #tpu.memory_space<vmem>>)
      %run_scoped3A_126 = arith.constant 3 : i32
      %run_scoped3A_127 = arith.constant 1 : i32
      "tpu.region"() ({
        %run_scoped3A_130 = tpu.sem_alloc : memref<!tpu.dma_semaphore, #tpu.memory_space<semaphore_mem>>
        %dma_start3A_131 = arith.constant 0 : i32
        %dma_start3A_132 = tpu.memref_slice %arg8[%run_scoped3A_126, %run_scoped3A_127, %dma_start3A_131] : memref<4x2x128xi32, #tpu.memory_space<vmem>> -> memref<1x1x128xi32, #tpu.memory_space<vmem>>
        %dma_start3A_133 = tpu.memref_squeeze %dma_start3A_132 : memref<1x1x128xi32, #tpu.memory_space<vmem>> -> memref<128xi32, #tpu.memory_space<vmem>>
        %dma_start3A_134 = arith.constant 0 : i32
        %dma_start3A_135 = arith.constant 0 : i32
        %dma_start3A_136 = tpu.memref_slice %arg6[%dma_start3A_134, %dma_start3A_135] : memref<10240x128xf32, #tpu.memory_space<vmem_shared>> -> memref<10240x128xf32, #tpu.memory_space<vmem_shared>>
        tpu.enqueue_indirect_dma source(%arg11 : memref<128x128xf32, #tpu.memory_space<vmem>>) target(%dma_start3A_136 : memref<10240x128xf32, #tpu.memory_space<vmem_shared>>) offsets(%dma_start3A_133 : memref<128xi32, #tpu.memory_space<vmem>>) semaphore(%run_scoped3A_130 : memref<!tpu.dma_semaphore, #tpu.memory_space<semaphore_mem>>) {add = true}
        %dma_wait3A_137 = arith.constant 0 : i32
        %dma_wait3A_138 = tpu.memref_slice %arg8[%run_scoped3A_126, %run_scoped3A_127, %dma_wait3A_137] : memref<4x2x128xi32, #tpu.memory_space<vmem>> -> memref<1x1x128xi32, #tpu.memory_space<vmem>>
        %dma_wait3A_139 = tpu.memref_squeeze %dma_wait3A_138 : memref<1x1x128xi32, #tpu.memory_space<vmem>> -> memref<128xi32, #tpu.memory_space<vmem>>
        %dma_wait3A_140 = arith.constant 0 : i32
        %dma_wait3A_141 = arith.constant 0 : i32
        %dma_wait3A_142 = tpu.memref_slice %arg6[%dma_wait3A_140, %dma_wait3A_141] : memref<10240x128xf32, #tpu.memory_space<vmem_shared>> -> memref<10240x128xf32, #tpu.memory_space<vmem_shared>>
        tpu.wait_indirect_dma semaphore(%run_scoped3A_130 : memref<!tpu.dma_semaphore, #tpu.memory_space<semaphore_mem>>) src(%arg11 : memref<128x128xf32, #tpu.memory_space<vmem>>) dst(%dma_wait3A_142 : memref<10240x128xf32, #tpu.memory_space<vmem_shared>>)
        tpu.yield
      }) : () -> ()
      %run_scoped3A_128 = arith.constant 3 : i32
      %run_scoped3A_129 = arith.constant 1 : i32
      "tpu.region"() ({
        %run_scoped3A_130 = tpu.sem_alloc : memref<!tpu.dma_semaphore, #tpu.memory_space<semaphore_mem>>
        %dma_start3A_131 = arith.constant 0 : i32
        %dma_start3A_132 = tpu.memref_slice %arg8[%run_scoped3A_128, %run_scoped3A_129, %dma_start3A_131] : memref<4x2x128xi32, #tpu.memory_space<vmem>> -> memref<1x1x128xi32, #tpu.memory_space<vmem>>
        %dma_start3A_133 = tpu.memref_squeeze %dma_start3A_132 : memref<1x1x128xi32, #tpu.memory_space<vmem>> -> memref<128xi32, #tpu.memory_space<vmem>>
        %dma_start3A_134 = arith.constant 0 : i32
        %dma_start3A_135 = arith.constant 0 : i32
        %dma_start3A_136 = tpu.memref_slice %arg7[%dma_start3A_134, %dma_start3A_135] : memref<10240x16xf32, #tpu.memory_space<vmem_shared>> -> memref<10240x16xf32, #tpu.memory_space<vmem_shared>>
        tpu.enqueue_indirect_dma source(%arg9 : memref<128x16xf32, #tpu.memory_space<vmem>>) target(%dma_start3A_136 : memref<10240x16xf32, #tpu.memory_space<vmem_shared>>) offsets(%dma_start3A_133 : memref<128xi32, #tpu.memory_space<vmem>>) semaphore(%run_scoped3A_130 : memref<!tpu.dma_semaphore, #tpu.memory_space<semaphore_mem>>) {add = true}
        %dma_wait3A_137 = arith.constant 0 : i32
        %dma_wait3A_138 = tpu.memref_slice %arg8[%run_scoped3A_128, %run_scoped3A_129, %dma_wait3A_137] : memref<4x2x128xi32, #tpu.memory_space<vmem>> -> memref<1x1x128xi32, #tpu.memory_space<vmem>>
        %dma_wait3A_139 = tpu.memref_squeeze %dma_wait3A_138 : memref<1x1x128xi32, #tpu.memory_space<vmem>> -> memref<128xi32, #tpu.memory_space<vmem>>
        %dma_wait3A_140 = arith.constant 0 : i32
        %dma_wait3A_141 = arith.constant 0 : i32
        %dma_wait3A_142 = tpu.memref_slice %arg7[%dma_wait3A_140, %dma_wait3A_141] : memref<10240x16xf32, #tpu.memory_space<vmem_shared>> -> memref<10240x16xf32, #tpu.memory_space<vmem_shared>>
        tpu.wait_indirect_dma semaphore(%run_scoped3A_130 : memref<!tpu.dma_semaphore, #tpu.memory_space<semaphore_mem>>) src(%arg9 : memref<128x16xf32, #tpu.memory_space<vmem>>) dst(%dma_wait3A_142 : memref<10240x16xf32, #tpu.memory_space<vmem_shared>>)
        tpu.yield
      }) : () -> ()
    }
    %barrier3A_49 = arith.constant 0 : index
    tpu.barrier barrier_id(%barrier3A_49)
    "tpu.region"() ({
      %run_scoped3A = tpu.sem_alloc : memref<!tpu.dma_semaphore, #tpu.memory_space<semaphore_mem>>
      %dma_start3A = arith.constant 0 : i32
      %dma_start3A_50 = tpu.memref_slice %arg4[%arg0, %mul3A_2, %dma_start3A] : memref<2x10240x128xf32, #tpu.memory_space<hbm>> -> memref<1x640x128xf32, #tpu.memory_space<hbm>>
      %dma_start3A_51 = tpu.memref_squeeze %dma_start3A_50 : memref<1x640x128xf32, #tpu.memory_space<hbm>> -> memref<640x128xf32, #tpu.memory_space<hbm>>
      %dma_start3A_52 = arith.constant 0 : i32
      %dma_start3A_53 = tpu.memref_slice %arg6[%mul3A_2, %dma_start3A_52] : memref<10240x128xf32, #tpu.memory_space<vmem_shared>> -> memref<640x128xf32, #tpu.memory_space<vmem_shared>>
      tpu.enqueue_dma source(%dma_start3A_53 : memref<640x128xf32, #tpu.memory_space<vmem_shared>>) target(%dma_start3A_51 : memref<640x128xf32, #tpu.memory_space<hbm>>) target_semaphore(%run_scoped3A : memref<!tpu.dma_semaphore, #tpu.memory_space<semaphore_mem>>)
      %dma_wait3A = arith.constant 0 : i32
      %dma_wait3A_54 = tpu.memref_slice %arg4[%arg0, %mul3A_2, %dma_wait3A] : memref<2x10240x128xf32, #tpu.memory_space<hbm>> -> memref<1x640x128xf32, #tpu.memory_space<hbm>>
      %dma_wait3A_55 = tpu.memref_squeeze %dma_wait3A_54 : memref<1x640x128xf32, #tpu.memory_space<hbm>> -> memref<640x128xf32, #tpu.memory_space<hbm>>
      %dma_wait3A_56 = arith.constant 0 : i32
      %dma_wait3A_57 = tpu.memref_slice %arg6[%mul3A_2, %dma_wait3A_56] : memref<10240x128xf32, #tpu.memory_space<vmem_shared>> -> memref<640x128xf32, #tpu.memory_space<vmem_shared>>
      tpu.wait_dma2 semaphore(%run_scoped3A : memref<!tpu.dma_semaphore, #tpu.memory_space<semaphore_mem>>) src(%dma_wait3A_57 : memref<640x128xf32, #tpu.memory_space<vmem_shared>>) dst(%dma_wait3A_55 : memref<640x128xf32, #tpu.memory_space<hbm>>)
      tpu.yield
    }) : () -> ()
    "tpu.region"() ({
      %run_scoped3A = tpu.sem_alloc : memref<!tpu.dma_semaphore, #tpu.memory_space<semaphore_mem>>
      %dma_start3A = arith.constant 0 : i32
      %dma_start3A_50 = tpu.memref_slice %arg5[%arg0, %mul3A_2, %dma_start3A] : memref<2x10240x16xf32, #tpu.memory_space<hbm>> -> memref<1x640x16xf32, #tpu.memory_space<hbm>>
      %dma_start3A_51 = tpu.memref_squeeze %dma_start3A_50 : memref<1x640x16xf32, #tpu.memory_space<hbm>> -> memref<640x16xf32, #tpu.memory_space<hbm>>
      %dma_start3A_52 = arith.constant 0 : i32
      %dma_start3A_53 = tpu.memref_slice %arg7[%mul3A_2, %dma_start3A_52] : memref<10240x16xf32, #tpu.memory_space<vmem_shared>> -> memref<640x16xf32, #tpu.memory_space<vmem_shared>>
      tpu.enqueue_dma source(%dma_start3A_53 : memref<640x16xf32, #tpu.memory_space<vmem_shared>>) target(%dma_start3A_51 : memref<640x16xf32, #tpu.memory_space<hbm>>) target_semaphore(%run_scoped3A : memref<!tpu.dma_semaphore, #tpu.memory_space<semaphore_mem>>)
      %dma_wait3A = arith.constant 0 : i32
      %dma_wait3A_54 = tpu.memref_slice %arg5[%arg0, %mul3A_2, %dma_wait3A] : memref<2x10240x16xf32, #tpu.memory_space<hbm>> -> memref<1x640x16xf32, #tpu.memory_space<hbm>>
      %dma_wait3A_55 = tpu.memref_squeeze %dma_wait3A_54 : memref<1x640x16xf32, #tpu.memory_space<hbm>> -> memref<640x16xf32, #tpu.memory_space<hbm>>
      %dma_wait3A_56 = arith.constant 0 : i32
      %dma_wait3A_57 = tpu.memref_slice %arg7[%mul3A_2, %dma_wait3A_56] : memref<10240x16xf32, #tpu.memory_space<vmem_shared>> -> memref<640x16xf32, #tpu.memory_space<vmem_shared>>
      tpu.wait_dma2 semaphore(%run_scoped3A : memref<!tpu.dma_semaphore, #tpu.memory_space<semaphore_mem>>) src(%dma_wait3A_57 : memref<640x16xf32, #tpu.memory_space<vmem_shared>>) dst(%dma_wait3A_55 : memref<640x16xf32, #tpu.memory_space<hbm>>)
      tpu.yield
    }) : () -> ()
    return
  }
}

</mosaic_0001>

<sc_bundles>
// kernel: _sc_aggregate.3.cloned.1.call-start
scs
__scs_entry_jumppad:
0x0: {  	(pc) =	sbr.rel $0x88, $3  }
0x1: {  	(tag) =	ssettag $0x0;
	lr =	simm.s32 $0x1  }
0x2: {  	[smem:$0x3F9F] =	sst lr;
	_ =	strace $0xD0000000  }
0x3: {  	_ = 	snop  }
0x4: {  	_ = 	snop  }
0x5: {  	_ = 	snop  }
0x6: {  	_ = 	snop  }
0x7: {  	_ = 	snop  }
__scs_overlays_trampoline_lowered:
0x8: {  	[smem:$0x3FAE] =	sst s0  }
0x9: {  	[smem:$0x3FAF] =	sst s1  }
0xa: {  	[smem:$0x3FB0] =	sst s2  }
0xb: {  	[smem:$0x3FB1] =	sst s3  }
0xc: {  	[smem:$0x3FB2] =	sst s4  }
0xd: {  	[smem:$0x3FB3] =	sst s5  }
0xe: {  	[smem:$0x3FB4] =	sst s6  }
0xf: {  	[smem:$0x3FB5] =	sst s7  }
0x10: {  	[smem:$0x3FB6] =	sst s8  }
0x11: {  	[smem:$0x3FB7] =	sst s9;
	s0 =	simm.s32 @!p0 $0x0  }
0x12: {  	s1 =	sld [smem:$0x3F9D];
	s0 =	simm.s32 @p0 $0x1  }
0x13: {  	[smem:$0x3FB8] =	sst s0;
	s0 =	simm.s32 @!p1 $0x0  }
0x14: {  	s2 =	sld [smem:$0x3F9C];
	s0 =	simm.s32 @p1 $0x1  }
0x15: {  	[smem:$0x3FB9] =	sst s0;
	s0 =	simm.s32 @!p2 $0x0  }
0x16: {  	s3 =	sld [smem:$0x3FDB];
	s0 =	simm.s32 @p2 $0x1  }
0x17: {  	s4 =	simm.s32 $0x1BF5;
	[smem:$0x3FBB] =	sst s0  }
0x18: {  	s0 =	sld [smem:$0x3F9E];
	_ =	swait.ge [sflag:s4], $0x0  }
0x19: {  	s7 =	sld [smem:$0x3F9F]  }
0x1a: {  	s8 =	sadd.s32 $0xFFFFE003, lr  }
0x1b: {  	s9 =	sadd.s32 $0xFFFFFEF7, lr;
	s5 =	simm.s32 $0xFFFFFFFF;
	p2 =	slt.u32 s8, $0xFFFFF086  }
0x1c: {  	p1 =	slt.u32 s9, $0xF7A;
	s5 =	simm.s32 @!p2 $0x0  }
0x1d: {  	s5 =	simm.s32 @p1 $0x1;
	p0 =	seq.s32 s7, s2  }
0x1e: {  	s7 =	smul.u32 @!p0 $0xF7A, s2;
	p2 =	seq.s32 @!p0 s5, $0x0  }
0x1f: {  	s9 =	smul.u32 $0xF7A, s1;
	s8 =	simm.s32 @!p0 $0x1BF5;
	p2 =	por !p2, p0  }
0x20: {  	[sflag:s8] =	ssyncset.s32 @!p0 $0xFFFFF086;
	s6 =	sadd.s32 @!p0 s3, s7;
	s7 =	simm.s32 @!p0 $0x108  }
0x21: {  	s3 =	sadd.s32 s3, s9;
	s6 =	sadd.s32 @!p0 $0x88, s6;
	s7 =	simm.s32 @p2 $0x1082  }
0x22: {  	[simem:s7], [sflag:s8] =	dma.local @!p0 [hbm:s6], $0xF7A  }
0x23: {  	s9 =	sor.u32 $0xD0000000, s2;
	s6 =	simm.s32 $0x108;
	_ =	swait.ge @!p0 [sflag:s8], $0x0  }
0x24: {  	s3 =	sadd.s32 $0x88, s3;
	s6 =	simm.s32 @!p1 $0x1082;
	[sflag:s4] =	ssyncset.s32 $0xFFFFF086  }
0x25: {  	[simem:s6], [sflag:s4] =	dma.local [hbm:s3], $0xF7A  }
0x26: {  	[smem:$0x3F9F] =	sst s1;
	(tag) =	ssettag s2;
	_ =	strace s9  }
0x27: {  	s1 =	sld [smem:$0x3FAF]  }
0x28: {  	s2 =	sld [smem:$0x3FB0]  }
0x29: {  	s4 =	sld [smem:$0x3FB2]  }
0x2a: {  	p0 =	seq.s32 s5, $0x0;
	s5 =	sld [smem:$0x3FB3]  }
0x2b: {  	s6 =	sld [smem:$0x3FB4]  }
0x2c: {  	s7 =	sld [smem:$0x3FB5]  }
0x2d: {  	s3 =	simm.s32 $0x108;
	s8 =	sld [smem:$0x3FB6]  }
0x2e: {  	s3 =	simm.s32 @!p0 $0x1082;
	s9 =	sld [smem:$0x3FB7]  }
0x2f: {  	lr =	sadd.s32 s0, s3;
	s0 =	sld [smem:$0x3FAE]  }
0x30: {  	s3 =	sld [smem:$0x3FB1]  }
0x31: {  	[smem:$0x3FBA] =	sst s10  }
0x32: {  	s10 =	sld [smem:$0x3FB8];
	_ =	sdelay $0x3  }
0x33: {  	p0 =	seq.s32 s10, $0x1;
	s10 =	sld [smem:$0x3FBA];
	_ =	sdelay $0x3  }
0x34: {  	[smem:$0x3FBA] =	sst s10  }
0x35: {  	s10 =	sld [smem:$0x3FB9];
	_ =	sdelay $0x3  }
0x36: {  	p1 =	seq.s32 s10, $0x1;
	s10 =	sld [smem:$0x3FBA];
	_ =	sdelay $0x3  }
0x37: {  	[smem:$0x3FBA] =	sst s10  }
0x38: {  	s10 =	sld [smem:$0x3FBB]  }
0x39: {  	_ = 	snop;
	(pc) =	sbr.ind lr, $3  }
0x3a: {  	_ = 	snop  }
0x3b: {  	_ = 	snop  }
0x3c: {  	p2 =	seq.s32 s10, $0x1;
	s10 =	sld [smem:$0x3FBA]  }
0x3d: {  	_ =	shalt  }
0x3e: {  	_ =	shalt  }
0x3f: {  	_ =	shalt  }
0x40: {  	_ =	shalt  }
0x41: {  	_ =	shalt  }
0x42: {  	_ =	shalt  }
0x43: {  	_ =	shalt  }
0x44: {  	_ =	shalt  }
0x45: {  	_ =	shalt  }
0x46: {  	_ =	shalt  }
0x47: {  	_ =	shalt  }
0x48: {  	_ =	shalt  }
0x49: {  	_ =	shalt  }
0x4a: {  	_ =	shalt  }
0x4b: {  	_ =	shalt  }
0x4c: {  	_ =	shalt  }
0x4d: {  	_ =	shalt  }
0x4e: {  	_ =	shalt  }
0x4f: {  	_ =	shalt  }
0x50: {  	_ =	shalt  }
0x51: {  	_ =	shalt  }
0x52: {  	_ =	shalt  }
0x53: {  	_ =	shalt  }
0x54: {  	_ =	shalt  }
0x55: {  	_ =	shalt  }
0x56: {  	_ =	shalt  }
0x57: {  	_ =	shalt  }
0x58: {  	_ =	shalt  }
0x59: {  	_ =	shalt  }
0x5a: {  	_ =	shalt  }
0x5b: {  	_ =	shalt  }
0x5c: {  	_ =	shalt  }
0x5d: {  	_ =	shalt  }
0x5e: {  	_ =	shalt  }
0x5f: {  	_ =	shalt  }
0x60: {  	_ =	shalt  }
0x61: {  	_ =	shalt  }
0x62: {  	_ =	shalt  }
0x63: {  	_ =	shalt  }
0x64: {  	_ =	shalt  }
0x65: {  	_ =	shalt  }
0x66: {  	_ =	shalt  }
0x67: {  	_ =	shalt  }
0x68: {  	_ =	shalt  }
0x69: {  	_ =	shalt  }
0x6a: {  	_ =	shalt  }
0x6b: {  	_ =	shalt  }
0x6c: {  	_ =	shalt  }
0x6d: {  	_ =	shalt  }
0x6e: {  	_ =	shalt  }
0x6f: {  	_ =	shalt  }
0x70: {  	_ =	shalt  }
0x71: {  	_ =	shalt  }
0x72: {  	_ =	shalt  }
0x73: {  	_ =	shalt  }
0x74: {  	_ =	shalt  }
0x75: {  	_ =	shalt  }
0x76: {  	_ =	shalt  }
0x77: {  	_ =	shalt  }
0x78: {  	_ =	shalt  }
0x79: {  	_ =	shalt  }
0x7a: {  	_ =	shalt  }
0x7b: {  	_ =	shalt  }
0x7c: {  	_ =	shalt  }
0x7d: {  	_ =	shalt  }
0x7e: {  	_ =	shalt  }
0x7f: {  	_ =	shalt  }
0x80: {  	_ =	shalt  }
0x81: {  	_ =	shalt  }
0x82: {  	_ =	shalt  }
0x83: {  	_ =	shalt  }
0x84: {  	_ =	shalt  }
0x85: {  	_ =	shalt  }
0x86: {  	_ =	shalt  }
0x87: {  	_ =	shalt  }
.Lfunc_end0:
.L_simem_size_0:
called_computation_lowered:
.L_overlay_start_0:
0x88: {  	s2 =	sld [smem:$0x3FD9]  }
0x89: {  	s3 =	sld [smem:$0x3FFE];
	_ =	sdelay $0x1  }
0x8a: {  	s1 =	srdreg.scid  }
0x8b: {  	s0 =	sand.u32 $0x1, s1  }
0x8c: {  	s15 =	sshll.u32 s0, $0xA;
	s2 =	sadd.s32 s3, s2  }
0x8d: {  	s2 =	sadd.s32 s2, s15  }
0x8e: {  	[smem:$0x3FC6] =	sst s2  }
0x8f: {  	_ = 	snop  }
0x90: {  	s2 =	sld [smem:$0x3FD0];
	_ =	sdelay $0x1  }
0x91: {  	s16 =	sld [smem:$0x3FC9]  }
0x92: {  	s5 =	simm.s32 $0xA;
	s6 =	simm.s32 $0x10;
	s4 =	sld [smem:$0x3FC8]  }
0x93: {  	[smem:s6], [sflag:s5] =	dma.local [hbm:s2], $0x1  }
0x94: {  	_ =	swait.eq [sflag:s5], $0x1  }
0x95: {  	[sflag:s5] =	ssyncset.done $0x0  }
0x96: {  	s17 =	sld [smem:$0x10];
	[sflag:s5] =	ssyncadd.s32 $0xFFFFFFFF  }
0x97: {  	s18 =	sld [smem:$0x11];
	(tm) =	ssettm $0x1  }
0x98: {  	s19 =	sld [smem:$0x3FFB];
	_ =	sdelay $0x3  }
0x99: {  	_ =	strace s19  }
0x9a: {  	s6 =	sld [smem:$0x3FFC];
	_ =	sdelay $0x3  }
0x9b: {  	_ =	strace s6  }
0x9c: {  	s6 =	sld [smem:$0x3FFD];
	_ =	sdelay $0x3  }
0x9d: {  	_ =	strace s6  }
0x9e: {  	_ =	strace $0x8FFFFFFF  }
0x9f: {  	s20 =	sld [smem:$0x3FDB];
	_ =	sdelay $0x1  }
0xa0: {  	s7 =	simm.s32 $_scs_section_size  }
0xa1: {  	s8 =	simm.s32 $_size__tile_overlayer_lowered;
	s9 =	simm.s32 $_tile_overlayer_lowered  }
0xa2: {  	s23 =	simm.s32 $0x1BFF;
	s22 =	sshll.u32 s9, $0x1;
	s6 =	sadd.s32 s7, s20  }
0xa3: {  	s10 =	simm.s32 $0x0;
	s21 =	sshll.u32 s8, $0x1;
	s8 =	sadd.s32 s22, s6  }
0xa4: {  	[timem:s10], [sflag:s23] =	dma.local [hbm:s8], s21  }
0xa5: {  	_ =	swait.ge [sflag:s23], s21  }
0xa6: {  	s7 =	ssub.s32 $0x0, s21;
	[sflag:s23] =	ssyncset.done $0x0  }
0xa7: {  	[sflag:s23] =	ssyncadd.s32 s7;
	_ =	sdelay $0x1  }
0xa8: {  	s24 =	simm.s32 $0x1B8B  }
0xa9: {  	_ =	swait.ge [sflag:s24], $0x1  }
0xaa: {  	[sflag:s24] =	ssyncset.done $0x0  }
0xab: {  	s25 =	simm.s32 $0x1B8E;
	[sflag:s24] =	ssyncadd.s32 $0xFFFFFFFF  }
0xac: {  	s26 =	simm.s32 $execute0_lowered;
	[smem:$0x3FD2] =	sst s25  }
0xad: {  	s7 =	sshll.u32 s26, $0x1;
	_ =	strace $0x80000046;
	[dreg:$0x1] =	wrdreg $0xFFFFFFFF  }
0xae: {  	s28 =	simm.s32 $_size_execute0_lowered;
	s6 =	sadd.s32 s6, s7;
	[dreg:$0x0] =	wrdreg $0x0  }
0xaf: {  	s7 =	sshll.u32 s28, $0x1;
	[dreg:$0x2] =	wrdreg s6  }
0xb0: {  	[dreg:$0x3] =	wrdreg s7  }
0xb1: {  	[dreg:$0x4] =	wrdreg $0xC0  }
0xb2: {  	_ =	task [dreg:s10], $0x5FFFF  }
0xb3: {  	[dreg:$0x1] =	wrdreg $0xFFFFFFFF  }
0xb4: {  	[dreg:$0x0] =	wrdreg $0x60  }
0xb5: {  	[dreg:$0x2] =	wrdreg s16  }
0xb6: {  	[dreg:$0x3] =	wrdreg s4  }
0xb7: {  	[dreg:$0x4] =	wrdreg s17  }
0xb8: {  	[dreg:$0x5] =	wrdreg s18  }
0xb9: {  	[dreg:$0x6] =	wrdreg $0x0  }
0xba: {  	[dreg:$0x7] =	wrdreg $0x140000  }
0xbb: {  	[dreg:$0x8] =	wrdreg $0x9  }
0xbc: {  	_ =	task.clear_ibuf [dreg:s10], $0x9FFFF;
	_ =	strace $0x90000046  }
0xbd: {  	s29 =	simm.s32 $0x9;
	_ =	strace $0x80000048  }
0xbe: {  	_ =	swait.ge [sflag:s29], $0x1  }
0xbf: {  	[sflag:s29] =	ssyncadd.s32 $0xFFFFFFFF  }
0xc0: {  	_ =	strace $0x90000048  }
0xc1: {  	_ =	sfence  }
0xc2: {  	s30 =	sld [smem:$0x0];
	_ =	sdelay $0x2  }
0xc3: {  	s31 =	sshll.u32 s1, $0xD;
	s1 =	sshrl.u32 s1, $0x2  }
0xc4: {  	s3 =	sand.u32 $0x4000, s31;
	s1 =	sadd.s32 s1, s30  }
0xc5: {  	s0 =	sor.u32 s3, s0;
	s1 =	sshll.u32 s1, $0x11  }
0xc6: {  	s0 =	sor.u32 s1, s0  }
0xc7: {  	s0 =	sadd.s32 $0x8F2B, s0  }
0xc8: {  	[sflag:s0] =	ssyncadd.remote.s32 $0x1  }
0xc9: {  	_ =	sfence.sel $0xFFFF  }
0xca: {  	[dreg:$0x0] =	wrdreg $0xFFFFFFFF;
	(pc) =	sbr.abs _section_cstart, $3  }
0xcb: {  	[dreg:$0x1] =	wrdreg $0xFFFFFFFF  }
0xcc: {  	_ =	task.clear_ibuf [dreg:s10], $0x2FFFF;
	_ =	strace $0x9FFFFFFF  }
0xcd: {  	(tm) =	ssettm $0x7FFFFFFF  }
tec
execute0_lowered:
.L_overlay_start_1:
0x0: {  	(tag) =	ssettag $0x1  }
0x1: {  	s0 =	rddreg [dreg:$0x0]  }
0x2: {  	s1 =	rddreg [dreg:$0x1]  }
0x3: {  	s2 =	rddreg [dreg:$0x2]  }
0x4: {  	s8 =	rddreg [dreg:$0x3]  }
0x5: {  	s3 =	rddreg [dreg:$0x4];
	s17 =	stileid.u32  }
0x6: {  	s4 =	rddreg [dreg:$0x5];
	s10 =	smul.u32 $0x280, s17  }
0x7: {  	s5 =	srdreg.scid;
	s28 =	simm.s32 $0x16900;
	s11 =	smul.u32 $0x14000, s17  }
0x8: {  	s29 =	simm.s32 $0x1B400;
	s30 =	simm.s32 $0x16880;
	s12 =	smul.u32 $0x2800, s17  }
0x9: {  	s31 =	simm.s32 $0x2;
	s9 =	sand.u32 $0x1, s5;
	s17 =	smul.u32 $0x9000, s17  }
0xa: {  	s5 =	simm.s32 $0x0;
	s6 =	ssub.s32 $0x2, s9;
	s22 =	smul.u32 $0x140000, s9  }
0xb: {  	[smem:$0x7FF] =	sst s5;
	s24 =	smul.u32 $0x28000, s9;
	p0 =	seq.s32 s9, $0x0  }
0xc: {  	s9 =	smul.u32 $0x90000, s9;
	s7 =	sshrl.u32 s6, $0x1;
	_ =	strace $0x80000047  }
0xd: {  	s14 =	sadd.s32 $0x80, s10;
	s25 =	sadd.s32 $0x100, s10;
	s16 =	sadd.s32 $0x180, s10  }
0xe: {  	s10 =	sadd.s32 $0x200, s10;
	s13 =	ssub.s32 s6, s7;
	s6 =	sadd.s32 s11, s3  }
0xf: {  	s7 =	sadd.s32 s12, s4;
	s15 =	sshll.u32 s14, $0x7;
	s14 =	sshll.u32 s14, $0x4  }
0x10: {  	s26 =	sshll.u32 s25, $0x7;
	s18 =	sshll.u32 s16, $0x7;
	s20 =	sshll.u32 s16, $0x4  }
0x11: {  	s21 =	sshll.u32 s10, $0x7;
	s10 =	sshll.u32 s10, $0x4;
	s11 =	sadd.s32 s11, s22  }
0x12: {  	s9 =	sadd.s32 s17, s9;
	s22 =	simm.s32 $0x3;
	s15 =	sadd.s32 s15, s3  }
0x13: {  	s14 =	sadd.s32 s14, s4;
	s19 =	sadd.s32 s18, s3;
	[dreg:$0x7] =	wrdreg s15  }
0x14: {  	s23 =	sadd.s32 s21, s3;
	s16 =	sadd.s32 s10, s4;
	[dreg:$0x8] =	wrdreg s14  }
0x15: {  	s11 =	sshrl.u32 s11, $0x3;
	s21 =	simm.s32 $0x17400;
	[dreg:$0xb] =	wrdreg s19  }
0x16: {  	s14 =	sadd.s32 s26, s3;
	s15 =	sshll.u32 s25, $0x4;
	[dreg:$0xd] =	wrdreg s23  }
0x17: {  	s25 =	sadd.s32 s12, s24;
	s17 =	sadd.s32 s2, s11;
	s26 =	sshrl.u32 s9, $0x3  }
0x18: {  	s19 =	smax.u32 s13, $0x1;
	s23 =	simm.s32 $0x16C00;
	s24 =	simm.s32 $0x16800  }
0x19: {  	s2 =	simm.s32 $0x16980;
	s9 =	simm.s32 $0x16A80;
	s11 =	simm.s32 $0x0  }
0x1a: {  	[dreg:$0x9] =	wrdreg s14;
	s14 =	sadd.s32 s15, s4;
	s15 =	simm.s32 $0x24  }
0x1b: {  	s10 =	sshrl.u32 s25, $0x3;
	s13 =	sadd.s32 s26, s1;
	s25 =	simm.s32 $0x80  }
0x1c: {  	s26 =	simm.s32 $0x1;
	s1 =	simm.s32 $0x16A00;
	[dreg:$0xa] =	wrdreg s14  }
0x1d: {  	s14 =	sadd.s32 s20, s4;
	s15 =	simm.s32 @!p0 $0x4;
	s18 =	sadd.s32 s8, s10  }
0x1e: {  	v0 =	vimm.f32 $0.0e+00;
	v1 =	vimm.f32 $1.000000000e+00;
	s8 =	simm.s32 $0x16B00;
	s10 =	simm.s32 $0x16B80;
	[dreg:$0xc] =	wrdreg s14  }
.LBB2_1:
0x1f: {  	s12 =	simm.s32 $0x17440  }
0x20: {  	[tilespmem:s12+$0xFFFFFFD0] =	vst v0  }
0x21: {  	[tilespmem:s12+$0xFFFFFFE0] =	vst v0  }
0x22: {  	[tilespmem:s12+$0xFFFFFFF0] =	vst v0  }
0x23: {  	[tilespmem:s12+$0x0] =	vst v0  }
0x24: {  	[tilespmem:s12+$0x10] =	vst v0  }
0x25: {  	[tilespmem:s12+$0x20] =	vst v0  }
0x26: {  	[tilespmem:s12+$0x30] =	vst v0  }
0x27: {  	s14 =	simm.s32 $0x0;
	s20 =	simm.s32 $0x40;
	[tilespmem:s12+$0xFFFFFFC0] =	vst v0  }
.LBB2_2:
0x28: {  	p0 =	sne.s32 s20, $0x1FC0;
	[tilespmem:s14+$0x16C00] =	vst v0;
	s12 =	sadd.s32 $0x80, s12  }
0x29: {  	[tilespmem:s12+$0xFFFFFFD0] =	vst v0  }
0x2a: {  	[tilespmem:s12+$0xFFFFFFE0] =	vst v0  }
0x2b: {  	[tilespmem:s12+$0xFFFFFFF0] =	vst v0  }
.Ltmp0:
0x2c: {  	[tilespmem:s12+$0x0] =	vst v0;
	(pc) =	sbr.rel @p0 .LBB2_2-.Ltmp0, $4  }
0x2d: {  	[tilespmem:s12+$0x10] =	vst v0  }
0x2e: {  	[tilespmem:s12+$0x20] =	vst v0  }
0x2f: {  	[tilespmem:s12+$0x30] =	vst v0  }
0x30: {  	s14 =	sshra.s32 s20, $0x2;
	s20 =	sadd.s32 $0x40, s20;
	[tilespmem:s12+$0xFFFFFFC0] =	vst v0  }
0x31: {  	[tilespmem:s14+$0x16C00] =	vst v0  }
0x32: {  	[spmem:s6] =	stream.linear.scatter [tilespmem:s21], [sflag:$0x3], $0x4000, $0x38;
	[tilespmem:$0x1F400] =	vst v63  }
0x33: {  	_ =	swait.ge [sflag:s22], $0x4000  }
0x34: {  	[sflag:s22] =	ssyncset.done $0x0  }
0x35: {  	[sflag:s22] =	ssyncadd.s32 $0xFFFFC000  }
0x36: {  	[spmem:s7] =	stream.linear.scatter [tilespmem:s23], [sflag:$0x3], $0x800, $0x38;
	[tilespmem:$0x1F400] =	vst v63  }
0x37: {  	_ =	swait.ge [sflag:s22], $0x800  }
0x38: {  	[sflag:s22] =	ssyncset.done $0x0  }
0x39: {  	s12 =	rddreg [dreg:$0x7];
	[sflag:s22] =	ssyncadd.s32 $0xFFFFF800  }
0x3a: {  	[spmem:s12] =	stream.linear.scatter [tilespmem:s21], [sflag:$0x3], $0x4000, $0x38;
	[tilespmem:$0x1F400] =	vst v63  }
0x3b: {  	_ =	swait.ge [sflag:s22], $0x4000  }
0x3c: {  	[sflag:s22] =	ssyncset.done $0x0  }
0x3d: {  	s14 =	rddreg [dreg:$0x8];
	[sflag:s22] =	ssyncadd.s32 $0xFFFFC000  }
0x3e: {  	[spmem:s14] =	stream.linear.scatter [tilespmem:s23], [sflag:$0x3], $0x800, $0x38;
	[tilespmem:$0x1F400] =	vst v63  }
0x3f: {  	_ =	swait.ge [sflag:s22], $0x800  }
0x40: {  	[sflag:s22] =	ssyncset.done $0x0  }
0x41: {  	s20 =	rddreg [dreg:$0x9];
	[sflag:s22] =	ssyncadd.s32 $0xFFFFF800  }
0x42: {  	[spmem:s20] =	stream.linear.scatter [tilespmem:s21], [sflag:$0x3], $0x4000, $0x38;
	[tilespmem:$0x1F400] =	vst v63  }
0x43: {  	_ =	swait.ge [sflag:s22], $0x4000  }
0x44: {  	[sflag:s22] =	ssyncset.done $0x0  }
0x45: {  	s14 =	rddreg [dreg:$0xa];
	[sflag:s22] =	ssyncadd.s32 $0xFFFFC000  }
0x46: {  	[spmem:s14] =	stream.linear.scatter [tilespmem:s23], [sflag:$0x3], $0x800, $0x38;
	[tilespmem:$0x1F400] =	vst v63  }
0x47: {  	_ =	swait.ge [sflag:s22], $0x800  }
0x48: {  	[sflag:s22] =	ssyncset.done $0x0  }
0x49: {  	s20 =	rddreg [dreg:$0xb];
	[sflag:s22] =	ssyncadd.s32 $0xFFFFF800  }
0x4a: {  	[spmem:s20] =	stream.linear.scatter [tilespmem:s21], [sflag:$0x3], $0x4000, $0x38;
	[tilespmem:$0x1F400] =	vst v63  }
0x4b: {  	_ =	swait.ge [sflag:s22], $0x4000  }
0x4c: {  	[sflag:s22] =	ssyncset.done $0x0  }
0x4d: {  	s14 =	rddreg [dreg:$0xc];
	[sflag:s22] =	ssyncadd.s32 $0xFFFFC000  }
0x4e: {  	[spmem:s14] =	stream.linear.scatter [tilespmem:s23], [sflag:$0x3], $0x800, $0x38;
	[tilespmem:$0x1F400] =	vst v63  }
0x4f: {  	_ =	swait.ge [sflag:s22], $0x800  }
0x50: {  	[sflag:s22] =	ssyncset.done $0x0  }
0x51: {  	s20 =	rddreg [dreg:$0xd];
	[sflag:s22] =	ssyncadd.s32 $0xFFFFF800  }
0x52: {  	[spmem:s20] =	stream.linear.scatter [tilespmem:s21], [sflag:$0x3], $0x4000, $0x38;
	[tilespmem:$0x1F400] =	vst v63  }
0x53: {  	_ =	swait.ge [sflag:s22], $0x4000  }
0x54: {  	[sflag:s22] =	ssyncset.done $0x0  }
0x55: {  	[sflag:s22] =	ssyncadd.s32 $0xFFFFC000  }
0x56: {  	[spmem:s16] =	stream.linear.scatter [tilespmem:s23], [sflag:$0x3], $0x800, $0x38;
	[tilespmem:$0x1F400] =	vst v63  }
0x57: {  	_ =	swait.ge [sflag:s22], $0x800  }
0x58: {  	[sflag:s22] =	ssyncset.done $0x0  }
0x59: {  	s12 =	simm.s32 $0x40;
	s14 =	simm.s32 $0x0;
	[sflag:s22] =	ssyncadd.s32 $0xFFFFF800  }
.LBB2_4:
0x5a: {  	p0 =	sne.s32 s12, $0x1FC0;
	[tilespmem:s14+$0x16C00] =	vst v1;
	s14 =	smov.u32 s12;
	s12 =	sadd.s32 $0x40, s12  }
.Ltmp1:
0x5b: {  	(pc) =	sbr.rel @p0 .LBB2_4-.Ltmp1, $2  }
0x5c: {  	_ =	sdelay $0x2  }
0x5d: {  	s14 =	sshra.s32 s14, $0x2  }
0x5e: {  	[tilespmem:s14+$0x16C00] =	vst v1  }
0x5f: {  	[bflag:$0x0] =	sbarrier.arrive $0xFFFF  }
0x60: {  	[tilespmem:s24], [sflag:$0x3] =	stream.linear.gather [hbm4b:s13+s5], $0x400, $0x38;
	[tilespmem:$0x1F400] =	vst v63  }
0x61: {  	_ =	swait.ge [sflag:s22], $0x400  }
0x62: {  	[sflag:s22] =	ssyncset.done $0x0  }
0x63: {  	[sflag:s22] =	ssyncadd.s32 $0xFFFFFC00  }
0x64: {  	[tilespmem:s21], [sflag:$0x1] =	stream.indirect.gather [hbm4b:s0+s25], $0x80, s24, s25, $0xb8;
	[tilespmem:$0x1F400] =	vst v63  }
0x65: {  	_ =	swait.ge [sflag:s26], $0x4000  }
0x66: {  	[sflag:s26] =	ssyncset.done $0x0  }
0x67: {  	[sflag:s26] =	ssyncadd.s32 $0xFFFFC000  }
0x68: {  	[tilespmem:s29], [sflag:$0x2] =	stream.indirect.gather [hbm4b:s0+s25], $0x80, s28, s25, $0xb8;
	[tilespmem:$0x1F400] =	vst v63  }
0x69: {  	_ = 	snop  }
0x6a: {  	[spmem:s3] =	stream.indirect.scatter.add.f32 [tilespmem:s21], [sflag:$0x3], $0x80, s30, s25, $0xb8;
	[tilespmem:$0x1F400] =	vst v63  }
0x6b: {  	_ =	swait.ge [sflag:s22], $0x4000  }
0x6c: {  	[sflag:s22] =	ssyncset.done $0x0  }
0x6d: {  	[sflag:s22] =	ssyncadd.s32 $0xFFFFC000  }
0x6e: {  	[spmem:s4] =	stream.indirect.scatter.add.f32 [tilespmem:s23], [sflag:$0x3], $0x10, s30, s25, $0xb8;
	[tilespmem:$0x1F400] =	vst v63  }
0x6f: {  	_ =	swait.ge [sflag:s22], $0x800  }
0x70: {  	[sflag:s22] =	ssyncset.done $0x0  }
0x71: {  	[sflag:s22] =	ssyncadd.s32 $0xFFFFF800  }
0x72: {  	_ =	swait.ge [sflag:s31], $0x4000  }
0x73: {  	[sflag:s31] =	ssyncset.done $0x0  }
0x74: {  	[sflag:s31] =	ssyncadd.s32 $0xFFFFC000  }
0x75: {  	[tilespmem:s21], [sflag:$0x1] =	stream.indirect.gather [hbm4b:s0+s25], $0x80, s1, s25, $0xb8;
	[tilespmem:$0x1F400] =	vst v63  }
0x76: {  	_ = 	snop  }
0x77: {  	[spmem:s3] =	stream.indirect.scatter.add.f32 [tilespmem:s29], [sflag:$0x3], $0x80, s2, s25, $0xb8;
	[tilespmem:$0x1F400] =	vst v63  }
0x78: {  	_ =	swait.ge [sflag:s22], $0x4000  }
0x79: {  	[sflag:s22] =	ssyncset.done $0x0  }
0x7a: {  	[sflag:s22] =	ssyncadd.s32 $0xFFFFC000  }
0x7b: {  	[spmem:s4] =	stream.indirect.scatter.add.f32 [tilespmem:s23], [sflag:$0x3], $0x10, s2, s25, $0xb8;
	[tilespmem:$0x1F400] =	vst v63  }
0x7c: {  	_ =	swait.ge [sflag:s22], $0x800  }
0x7d: {  	[sflag:s22] =	ssyncset.done $0x0  }
0x7e: {  	[sflag:s22] =	ssyncadd.s32 $0xFFFFF800  }
0x7f: {  	_ =	swait.ge [sflag:s26], $0x4000  }
0x80: {  	[sflag:s26] =	ssyncset.done $0x0  }
0x81: {  	[sflag:s26] =	ssyncadd.s32 $0xFFFFC000  }
0x82: {  	[tilespmem:s29], [sflag:$0x2] =	stream.indirect.gather [hbm4b:s0+s25], $0x80, s8, s25, $0xb8;
	[tilespmem:$0x1F400] =	vst v63  }
0x83: {  	_ = 	snop  }
0x84: {  	[spmem:s3] =	stream.indirect.scatter.add.f32 [tilespmem:s21], [sflag:$0x3], $0x80, s9, s25, $0xb8;
	[tilespmem:$0x1F400] =	vst v63  }
0x85: {  	_ =	swait.ge [sflag:s22], $0x4000  }
0x86: {  	[sflag:s22] =	ssyncset.done $0x0  }
0x87: {  	[sflag:s22] =	ssyncadd.s32 $0xFFFFC000  }
0x88: {  	[spmem:s4] =	stream.indirect.scatter.add.f32 [tilespmem:s23], [sflag:$0x3], $0x10, s9, s25, $0xb8;
	[tilespmem:$0x1F400] =	vst v63  }
0x89: {  	_ =	swait.ge [sflag:s22], $0x800  }
0x8a: {  	[sflag:s22] =	ssyncset.done $0x0  }
0x8b: {  	[sflag:s22] =	ssyncadd.s32 $0xFFFFF800  }
0x8c: {  	_ =	swait.ge [sflag:s31], $0x4000  }
0x8d: {  	[sflag:s31] =	ssyncset.done $0x0  }
0x8e: {  	[sflag:s31] =	ssyncadd.s32 $0xFFFFC000  }
0x8f: {  	[spmem:s3] =	stream.indirect.scatter.add.f32 [tilespmem:s29], [sflag:$0x3], $0x80, s10, s25, $0xb8;
	[tilespmem:$0x1F400] =	vst v63  }
0x90: {  	p0 =	sne.s32 s15, $0x1;
	_ =	swait.ge [sflag:s22], $0x4000  }
.Ltmp2:
0x91: {  	[sflag:s22] =	ssyncset.done $0x0;
	(pc) =	sbr.rel @!p0 .LBB2_7-.Ltmp2, $4  }
0x92: {  	[sflag:s22] =	ssyncadd.s32 $0xFFFFC000  }
0x93: {  	[spmem:s4] =	stream.indirect.scatter.add.f32 [tilespmem:s23], [sflag:$0x3], $0x10, s10, s25, $0xb8;
	[tilespmem:$0x1F400] =	vst v63  }
0x94: {  	_ =	swait.ge [sflag:s22], $0x800  }
0x95: {  	s12 =	sadd.s32 $0xFFFFFFFF, s15;
	s20 =	smov.u32 s13;
	[sflag:s22] =	ssyncset.done $0x0  }
.LBB2_6:
0x96: {  	p0 =	sne.s32 s12, $0x1;
	[sflag:s22] =	ssyncadd.s32 $0xFFFFF800;
	s20 =	sadd.s32 $0x80, s20  }
0x97: {  	[tilespmem:s24], [sflag:$0x3] =	stream.linear.gather [hbm4b:s20+s5], $0x400, $0x38;
	[tilespmem:$0x1F400] =	vst v63  }
0x98: {  	s12 =	sadd.s32 $0xFFFFFFFF, s12;
	_ =	swait.ge [sflag:s22], $0x400  }
0x99: {  	[sflag:s22] =	ssyncset.done $0x0  }
0x9a: {  	[sflag:s22] =	ssyncadd.s32 $0xFFFFFC00  }
0x9b: {  	[tilespmem:s21], [sflag:$0x1] =	stream.indirect.gather [hbm4b:s0+s25], $0x80, s24, s25, $0xb8;
	[tilespmem:$0x1F400] =	vst v63  }
0x9c: {  	_ =	swait.ge [sflag:s26], $0x4000  }
0x9d: {  	[sflag:s26] =	ssyncset.done $0x0  }
0x9e: {  	[sflag:s26] =	ssyncadd.s32 $0xFFFFC000  }
0x9f: {  	[tilespmem:s29], [sflag:$0x2] =	stream.indirect.gather [hbm4b:s0+s25], $0x80, s28, s25, $0xb8;
	[tilespmem:$0x1F400] =	vst v63  }
0xa0: {  	_ = 	snop  }
0xa1: {  	[spmem:s3] =	stream.indirect.scatter.add.f32 [tilespmem:s21], [sflag:$0x3], $0x80, s30, s25, $0xb8;
	[tilespmem:$0x1F400] =	vst v63  }
0xa2: {  	_ =	swait.ge [sflag:s22], $0x4000  }
0xa3: {  	[sflag:s22] =	ssyncset.done $0x0  }
0xa4: {  	[sflag:s22] =	ssyncadd.s32 $0xFFFFC000  }
0xa5: {  	[spmem:s4] =	stream.indirect.scatter.add.f32 [tilespmem:s23], [sflag:$0x3], $0x10, s30, s25, $0xb8;
	[tilespmem:$0x1F400] =	vst v63  }
0xa6: {  	_ =	swait.ge [sflag:s22], $0x800  }
0xa7: {  	[sflag:s22] =	ssyncset.done $0x0  }
0xa8: {  	[sflag:s22] =	ssyncadd.s32 $0xFFFFF800  }
0xa9: {  	_ =	swait.ge [sflag:s31], $0x4000  }
0xaa: {  	[sflag:s31] =	ssyncset.done $0x0  }
0xab: {  	[sflag:s31] =	ssyncadd.s32 $0xFFFFC000  }
0xac: {  	[tilespmem:s21], [sflag:$0x1] =	stream.indirect.gather [hbm4b:s0+s25], $0x80, s1, s25, $0xb8;
	[tilespmem:$0x1F400] =	vst v63  }
0xad: {  	_ = 	snop  }
0xae: {  	[spmem:s3] =	stream.indirect.scatter.add.f32 [tilespmem:s29], [sflag:$0x3], $0x80, s2, s25, $0xb8;
	[tilespmem:$0x1F400] =	vst v63  }
0xaf: {  	_ =	swait.ge [sflag:s22], $0x4000  }
0xb0: {  	[sflag:s22] =	ssyncset.done $0x0  }
0xb1: {  	[sflag:s22] =	ssyncadd.s32 $0xFFFFC000  }
0xb2: {  	[spmem:s4] =	stream.indirect.scatter.add.f32 [tilespmem:s23], [sflag:$0x3], $0x10, s2, s25, $0xb8;
	[tilespmem:$0x1F400] =	vst v63  }
0xb3: {  	_ =	swait.ge [sflag:s22], $0x800  }
0xb4: {  	[sflag:s22] =	ssyncset.done $0x0  }
0xb5: {  	[sflag:s22] =	ssyncadd.s32 $0xFFFFF800  }
0xb6: {  	_ =	swait.ge [sflag:s26], $0x4000  }
0xb7: {  	[sflag:s26] =	ssyncset.done $0x0  }
0xb8: {  	[sflag:s26] =	ssyncadd.s32 $0xFFFFC000  }
0xb9: {  	[tilespmem:s29], [sflag:$0x2] =	stream.indirect.gather [hbm4b:s0+s25], $0x80, s8, s25, $0xb8;
	[tilespmem:$0x1F400] =	vst v63  }
0xba: {  	_ = 	snop  }
0xbb: {  	[spmem:s3] =	stream.indirect.scatter.add.f32 [tilespmem:s21], [sflag:$0x3], $0x80, s9, s25, $0xb8;
	[tilespmem:$0x1F400] =	vst v63  }
0xbc: {  	_ =	swait.ge [sflag:s22], $0x4000  }
0xbd: {  	[sflag:s22] =	ssyncset.done $0x0  }
0xbe: {  	[sflag:s22] =	ssyncadd.s32 $0xFFFFC000  }
0xbf: {  	[spmem:s4] =	stream.indirect.scatter.add.f32 [tilespmem:s23], [sflag:$0x3], $0x10, s9, s25, $0xb8;
	[tilespmem:$0x1F400] =	vst v63  }
0xc0: {  	_ =	swait.ge [sflag:s22], $0x800  }
0xc1: {  	[sflag:s22] =	ssyncset.done $0x0  }
0xc2: {  	[sflag:s22] =	ssyncadd.s32 $0xFFFFF800  }
0xc3: {  	_ =	swait.ge [sflag:s31], $0x4000  }
0xc4: {  	[sflag:s31] =	ssyncset.done $0x0  }
0xc5: {  	[sflag:s31] =	ssyncadd.s32 $0xFFFFC000  }
0xc6: {  	[spmem:s3] =	stream.indirect.scatter.add.f32 [tilespmem:s29], [sflag:$0x3], $0x80, s10, s25, $0xb8;
	[tilespmem:$0x1F400] =	vst v63  }
0xc7: {  	_ =	swait.ge [sflag:s22], $0x4000  }
.Ltmp3:
0xc8: {  	[sflag:s22] =	ssyncset.done $0x0;
	(pc) =	sbr.rel @p0 .LBB2_6-.Ltmp3, $4  }
0xc9: {  	[sflag:s22] =	ssyncadd.s32 $0xFFFFC000  }
0xca: {  	[spmem:s4] =	stream.indirect.scatter.add.f32 [tilespmem:s23], [sflag:$0x3], $0x10, s10, s25, $0xb8;
	[tilespmem:$0x1F400] =	vst v63  }
0xcb: {  	_ =	swait.ge [sflag:s22], $0x800  }
0xcc: {  	[sflag:s22] =	ssyncset.done $0x0  }
.LBB2_7:
0xcd: {  	s12 =	stileid.u32  }
0xce: {  	[sflag:s22] =	ssyncadd.s32 $0xFFFFF800;
	s12 =	sshll.u32 s12, $0x6  }
0xcf: {  	s14 =	sshrl.u32 s6, $0x3;
	[bflag:$0x0] =	sbarrier.arrive $0xFFFF;
	s12 =	sor.u32 $0x1C03, s12  }
0xd0: {  	[hbm:s17], [sflag:s12] =	dma.local [spmem:s14], $0x2800  }
0xd1: {  	s11 =	sadd.s32 $0x1, s11;
	_ =	swait.ge [sflag:s22], $0x2800  }
0xd2: {  	p0 =	sne.s32 s11, s19;
	[sflag:s22] =	ssyncset.done $0x0  }
.Ltmp4:
0xd3: {  	s20 =	sshrl.u32 s7, $0x3;
	[sflag:s22] =	ssyncadd.s32 $0xFFFFD800;
	(pc) =	sbr.rel @p0 .LBB2_1-.Ltmp4, $4  }
0xd4: {  	[hbm:s18], [sflag:s12] =	dma.local [spmem:s20], $0x500  }
0xd5: {  	_ =	swait.ge [sflag:s22], $0x500  }
0xd6: {  	[sflag:s22] =	ssyncset.done $0x0  }
0xd7: {  	[sflag:s22] =	ssyncadd.s32 $0xFFFFFB00  }
0xd8: {  	_ =	sfence.sel $0x180000  }
0xd9: {  	[bflag:$0x0] =	sbarrier.arrive $0xFFFF  }
0xda: {  	_ =	strace $0x90000047  }
0xdb: {  	s0 =	stileid.u32;
	[bflag:$0x2] =	sbarrier.arrive $0xFFFF  }
0xdc: {  	p0 =	sne.s32 s0, $0x0;
	s0 =	rddreg [dreg:$0x6]  }
0xdd: {  	s0 =	sadd.s32 @!p0 $0x100000, s0  }
0xde: {  	[sflag:s0] =	ssyncadd.tile.s32 @!p0 $0x1;
	_ =	shalt  }
.Lfunc_end2:
_tile_overlayer_lowered:
.L_overlay_start_2:
0xdf: {  	(tag) =	ssettag $0x2  }
0xe0: {  	s0 =	rddreg [dreg:$0x0];
	s2 =	stileid.u32  }
0xe1: {  	s1 =	rddreg [dreg:$0x1];
	p0 =	sne.s32 s2, $0x0  }
0xe2: {  	s3 =	rddreg [dreg:$0x2];
	[bflag:$0x3] =	sbarrier.arrive $0xFFFF;
	s2 =	simm.s32 @!p0 $0x1C03  }
0xe3: {  	[timem:s3], [sflag:s2] =	dma.local @!p0 [hbm:s0], s1  }
0xe4: {  	s0 =	simm.s32 @!p0 $0x3  }
0xe5: {  	_ =	swait.ge @!p0 [sflag:s0], s1  }
0xe6: {  	s1 =	ssub.s32 @!p0 $0x0, s1;
	[sflag:s0] =	ssyncset.done @!p0 $0x0  }
0xe7: {  	[sflag:s0] =	ssyncadd.s32 @!p0 s1  }
0xe8: {  	[bflag:$0x3] =	sbarrier.arrive $0xFFFF  }
0xe9: {  	_ =	shalt  }

</sc_bundles>
